<compile_context>
chip_gen: v7x
topology: tpu7x:2x2x1
jax: 0.10.2.dev20260603
libtpu: 0.0.44.dev20260713+nightly
codegen_flags: <defaults>
</compile_context>

<pallas_src>
import functools

import jax
import jax.numpy as jnp
from jax import lax
from jax.experimental import pallas as pl
from jax.experimental.pallas import tpu as pltpu
from jax.experimental.pallas import tpu_sc as plsc

MODEL_DIM = 128
SCALE = float(MODEL_DIM) ** 0.5

NUM_CORES = 2
NUM_SUBCORES = 16
LANES = 16
NUM_WORKERS = NUM_CORES * NUM_SUBCORES

CHUNK = 128
NBUF = 5
PREF = 3


@functools.partial(jax.jit, static_argnames=("n_rows",))
def _gather_scale(idx2d, table, n_rows):
  d = table.shape[1]
  n_chunks = idx2d.shape[0]
  ch_per_w = n_chunks // NUM_WORKERS

  mesh = plsc.VectorSubcoreMesh(core_axis_name="c", subcore_axis_name="s")

  @functools.partial(
      pl.kernel,
      mesh=mesh,
      out_type=jax.ShapeDtypeStruct((n_rows, d), jnp.float32),
      scratch_types=[
          pltpu.VMEM((ch_per_w, CHUNK), jnp.int32),
          pltpu.VMEM((NBUF, CHUNK, d), jnp.float32),
      ] + [pltpu.SemaphoreType.DMA] * (2 * NBUF),
  )
  def k(table_hbm, idx_hbm, out_hbm, idx_v, rows, *sems):
    gsems = sems[:NBUF]
    ssems = sems[NBUF:]
    wid = lax.axis_index("s") * NUM_CORES + lax.axis_index("c")
    ch_base = wid * ch_per_w
    bufs = [rows.at[b] for b in range(NBUF)]

    pltpu.sync_copy(idx_hbm.at[pl.ds(ch_base, ch_per_w)], idx_v)

    def gather(i, b):
      pltpu.async_copy(table_hbm.at[idx_v.at[i]], bufs[b], gsems[b])

    def wait_gather(b):
      pltpu.make_async_copy(table_hbm.at[idx_v.at[0]], bufs[b],
                            gsems[b]).wait()

    def store(i, b):
      pltpu.async_copy(bufs[b],
                       out_hbm.at[pl.ds((ch_base + i) * CHUNK, CHUNK)],
                       ssems[b])

    def wait_store(b):
      pltpu.make_async_copy(bufs[b], out_hbm.at[pl.ds(0, CHUNK)],
                            ssems[b]).wait()

    for i in range(PREF):
      gather(i, i)

    def ring_body(g, _):
      for b in range(NBUF):
        i = NBUF * g + b
        f = i + PREF
        bf = (b + PREF) % NBUF

        @pl.when(f < ch_per_w)
        def _():
          @pl.when(f >= NBUF)
          def _():
            wait_store(bf)
          gather(f, bf)

        wait_gather(b)

        def row_body(r, _):
          for t in range(d // LANES):
            sl = pl.ds(t * LANES, LANES)
            rows[b, r, sl] = rows[b, r, sl] * SCALE
          return 0

        lax.fori_loop(0, CHUNK, row_body, 0, unroll=2)
        store(i, b)
      return 0

    lax.fori_loop(0, ch_per_w // NBUF, ring_body, 0)
    for b in range(NBUF):
      wait_store(b)

  return k(table, idx2d)


def kernel(inputs, embeddings):
  b, t = inputs.shape
  n_rows = b * t
  idx2d = inputs.reshape(n_rows // CHUNK, CHUNK).astype(jnp.int32)
  out = _gather_scale(idx2d, embeddings, n_rows)
  return out.reshape(b, t, embeddings.shape[1])

# --- scband reference (transcript-rebuilt; emitter-appended) ---
"""Pipeline reference for scband-embedding-30640296690424 (READ-ONLY COPY).

The authoritative reference and input builder live on the scoring server;
editing this copy changes nothing except your own understanding.
"""

import jax, jax.numpy as jnp
import numpy as np

VOCAB_SIZE = 100000
MODEL_DIM = 128

def setup_inputs(seed: int = 0) -> dict:
    key = jax.random.key(seed)
    k_idx, k_emb = jax.random.split(key)
    inputs = jax.random.randint(k_idx, (4096, 200), 0, VOCAB_SIZE, dtype=jnp.int32)
    # glorot_uniform init for the embedding table
    limit = np.sqrt(6.0 / (VOCAB_SIZE + MODEL_DIM))
    embeddings = jax.random.uniform(k_emb, (VOCAB_SIZE, MODEL_DIM), dtype=jnp.float32, minval=-limit, maxval=limit)
    return {"inputs": inputs, "embeddings": embeddings}

def reference(inputs, embeddings):
    idx = inputs.astype(jnp.int32)
    out = jnp.take(embeddings, idx, axis=0)
    out = out * (MODEL_DIM ** 0.5)
    return out

if __name__ == "__main__":
    import jax
    _d = setup_inputs()
    print(jax.jit(kernel)(*tuple(_d.values())))

</pallas_src>

<mosaic_0001>
#map = affine_map<(d0, d1) -> (0, 0)>
module attributes {stable_mosaic.version = 14 : i64} {
  func.func @k(%arg0: i32, %arg1: i32, %arg2: memref<100000x128xf32, #tpu.memory_space<hbm>>, %arg3: memref<6400x128xi32, #tpu.memory_space<hbm>>, %arg4: memref<819200x128xf32, #tpu.memory_space<hbm>>, %arg5: memref<200x128xi32, #tpu.memory_space<vmem>>, %arg6: memref<5x128x128xf32, #tpu.memory_space<vmem>>, %arg7: memref<!tpu.dma_semaphore, #tpu.memory_space<semaphore_mem>>, %arg8: memref<!tpu.dma_semaphore, #tpu.memory_space<semaphore_mem>>, %arg9: memref<!tpu.dma_semaphore, #tpu.memory_space<semaphore_mem>>, %arg10: memref<!tpu.dma_semaphore, #tpu.memory_space<semaphore_mem>>, %arg11: memref<!tpu.dma_semaphore, #tpu.memory_space<semaphore_mem>>, %arg12: memref<!tpu.dma_semaphore, #tpu.memory_space<semaphore_mem>>, %arg13: memref<!tpu.dma_semaphore, #tpu.memory_space<semaphore_mem>>, %arg14: memref<!tpu.dma_semaphore, #tpu.memory_space<semaphore_mem>>, %arg15: memref<!tpu.dma_semaphore, #tpu.memory_space<semaphore_mem>>, %arg16: memref<!tpu.dma_semaphore, #tpu.memory_space<semaphore_mem>>) attributes {dimension_semantics = [#tpu.dimension_semantics<core_parallel>, #tpu.dimension_semantics<subcore_parallel>], iteration_bounds = array<i64: 2, 16>, scalar_prefetch = 0 : i64, scratch_operands = 12 : i64, tpu.core_type = #tpu.core_type<sc_vector_subcore>, window_params = [{transform_indices = #map}, {transform_indices = #map}, {transform_indices = #map}]} {
    %mul3A = arith.constant 2 : i32
    %mul3A_0 = arith.muli %arg1, %mul3A : i32
    %add3A = arith.addi %mul3A_0, %arg0 : i32
    %mul3A_1 = arith.constant 200 : i32
    %mul3A_2 = arith.muli %add3A, %mul3A_1 : i32
    "tpu.region"() ({
      %run_scoped3A = tpu.sem_alloc : memref<!tpu.dma_semaphore, #tpu.memory_space<semaphore_mem>>
      %dma_start3A_123 = arith.constant 0 : i32
      %dma_start3A_124 = tpu.memref_slice %arg3[%mul3A_2, %dma_start3A_123] : memref<6400x128xi32, #tpu.memory_space<hbm>> -> memref<200x128xi32, #tpu.memory_space<hbm>>
      %dma_start3A_125 = arith.constant 0 : i32
      %dma_start3A_126 = tpu.memref_slice %arg3[%mul3A_2, %dma_start3A_125] : memref<6400x128xi32, #tpu.memory_space<hbm>> -> memref<200x128xi32, #tpu.memory_space<hbm>>
      tpu.enqueue_dma source(%dma_start3A_126 : memref<200x128xi32, #tpu.memory_space<hbm>>) target(%arg5 : memref<200x128xi32, #tpu.memory_space<vmem>>) target_semaphore(%run_scoped3A : memref<!tpu.dma_semaphore, #tpu.memory_space<semaphore_mem>>)
      %dma_wait3A_127 = arith.constant 0 : i32
      %dma_wait3A_128 = tpu.memref_slice %arg3[%mul3A_2, %dma_wait3A_127] : memref<6400x128xi32, #tpu.memory_space<hbm>> -> memref<200x128xi32, #tpu.memory_space<hbm>>
      %dma_wait3A_129 = arith.constant 0 : i32
      %dma_wait3A_130 = tpu.memref_slice %arg3[%mul3A_2, %dma_wait3A_129] : memref<6400x128xi32, #tpu.memory_space<hbm>> -> memref<200x128xi32, #tpu.memory_space<hbm>>
      tpu.wait_dma2 semaphore(%run_scoped3A : memref<!tpu.dma_semaphore, #tpu.memory_space<semaphore_mem>>) src(%dma_wait3A_130 : memref<200x128xi32, #tpu.memory_space<hbm>>) dst(%arg5 : memref<200x128xi32, #tpu.memory_space<vmem>>)
      tpu.yield
    }) : () -> ()
    %dma_start3A = arith.constant 0 : i32
    %dma_start3A_3 = arith.constant 0 : i32
    %dma_start3A_4 = arith.constant 0 : i32
    %dma_start3A_5 = arith.constant 0 : i32
    %dma_start3A_6 = tpu.memref_slice %arg6[%dma_start3A_3, %dma_start3A_4, %dma_start3A_5] : memref<5x128x128xf32, #tpu.memory_space<vmem>> -> memref<1x128x128xf32, #tpu.memory_space<vmem>>
    %dma_start3A_7 = tpu.memref_squeeze %dma_start3A_6 : memref<1x128x128xf32, #tpu.memory_space<vmem>> -> memref<128x128xf32, #tpu.memory_space<vmem>>
    %dma_start3A_8 = arith.constant 0 : i32
    %dma_start3A_9 = tpu.memref_slice %arg5[%dma_start3A, %dma_start3A_8] : memref<200x128xi32, #tpu.memory_space<vmem>> -> memref<1x128xi32, #tpu.memory_space<vmem>>
    %dma_start3A_10 = tpu.memref_squeeze %dma_start3A_9 : memref<1x128xi32, #tpu.memory_space<vmem>> -> memref<128xi32, #tpu.memory_space<vmem>>
    %dma_start3A_11 = arith.constant 0 : i32
    %dma_start3A_12 = arith.constant 0 : i32
    %dma_start3A_13 = tpu.memref_slice %arg2[%dma_start3A_11, %dma_start3A_12] : memref<100000x128xf32, #tpu.memory_space<hbm>> -> memref<100000x128xf32, #tpu.memory_space<hbm>>
    tpu.enqueue_indirect_dma source(%dma_start3A_13 : memref<100000x128xf32, #tpu.memory_space<hbm>>) target(%dma_start3A_7 : memref<128x128xf32, #tpu.memory_space<vmem>>) offsets(%dma_start3A_10 : memref<128xi32, #tpu.memory_space<vmem>>) semaphore(%arg7 : memref<!tpu.dma_semaphore, #tpu.memory_space<semaphore_mem>>)
    %dma_start3A_14 = arith.constant 1 : i32
    %dma_start3A_15 = arith.constant 1 : i32
    %dma_start3A_16 = arith.constant 0 : i32
    %dma_start3A_17 = arith.constant 0 : i32
    %dma_start3A_18 = tpu.memref_slice %arg6[%dma_start3A_15, %dma_start3A_16, %dma_start3A_17] : memref<5x128x128xf32, #tpu.memory_space<vmem>> -> memref<1x128x128xf32, #tpu.memory_space<vmem>>
    %dma_start3A_19 = tpu.memref_squeeze %dma_start3A_18 : memref<1x128x128xf32, #tpu.memory_space<vmem>> -> memref<128x128xf32, #tpu.memory_space<vmem>>
    %dma_start3A_20 = arith.constant 0 : i32
    %dma_start3A_21 = tpu.memref_slice %arg5[%dma_start3A_14, %dma_start3A_20] : memref<200x128xi32, #tpu.memory_space<vmem>> -> memref<1x128xi32, #tpu.memory_space<vmem>>
    %dma_start3A_22 = tpu.memref_squeeze %dma_start3A_21 : memref<1x128xi32, #tpu.memory_space<vmem>> -> memref<128xi32, #tpu.memory_space<vmem>>
    %dma_start3A_23 = arith.constant 0 : i32
    %dma_start3A_24 = arith.constant 0 : i32
    %dma_start3A_25 = tpu.memref_slice %arg2[%dma_start3A_23, %dma_start3A_24] : memref<100000x128xf32, #tpu.memory_space<hbm>> -> memref<100000x128xf32, #tpu.memory_space<hbm>>
    tpu.enqueue_indirect_dma source(%dma_start3A_25 : memref<100000x128xf32, #tpu.memory_space<hbm>>) target(%dma_start3A_19 : memref<128x128xf32, #tpu.memory_space<vmem>>) offsets(%dma_start3A_22 : memref<128xi32, #tpu.memory_space<vmem>>) semaphore(%arg8 : memref<!tpu.dma_semaphore, #tpu.memory_space<semaphore_mem>>)
    %dma_start3A_26 = arith.constant 2 : i32
    %dma_start3A_27 = arith.constant 2 : i32
    %dma_start3A_28 = arith.constant 0 : i32
    %dma_start3A_29 = arith.constant 0 : i32
    %dma_start3A_30 = tpu.memref_slice %arg6[%dma_start3A_27, %dma_start3A_28, %dma_start3A_29] : memref<5x128x128xf32, #tpu.memory_space<vmem>> -> memref<1x128x128xf32, #tpu.memory_space<vmem>>
    %dma_start3A_31 = tpu.memref_squeeze %dma_start3A_30 : memref<1x128x128xf32, #tpu.memory_space<vmem>> -> memref<128x128xf32, #tpu.memory_space<vmem>>
    %dma_start3A_32 = arith.constant 0 : i32
    %dma_start3A_33 = tpu.memref_slice %arg5[%dma_start3A_26, %dma_start3A_32] : memref<200x128xi32, #tpu.memory_space<vmem>> -> memref<1x128xi32, #tpu.memory_space<vmem>>
    %dma_start3A_34 = tpu.memref_squeeze %dma_start3A_33 : memref<1x128xi32, #tpu.memory_space<vmem>> -> memref<128xi32, #tpu.memory_space<vmem>>
    %dma_start3A_35 = arith.constant 0 : i32
    %dma_start3A_36 = arith.constant 0 : i32
    %dma_start3A_37 = tpu.memref_slice %arg2[%dma_start3A_35, %dma_start3A_36] : memref<100000x128xf32, #tpu.memory_space<hbm>> -> memref<100000x128xf32, #tpu.memory_space<hbm>>
    tpu.enqueue_indirect_dma source(%dma_start3A_37 : memref<100000x128xf32, #tpu.memory_space<hbm>>) target(%dma_start3A_31 : memref<128x128xf32, #tpu.memory_space<vmem>>) offsets(%dma_start3A_34 : memref<128xi32, #tpu.memory_space<vmem>>) semaphore(%arg9 : memref<!tpu.dma_semaphore, #tpu.memory_space<semaphore_mem>>)
    %scan3A = arith.constant 3 : i32
    %scan3A_38 = arith.constant 0 : i32
    %scan3A_39 = arith.constant 4 : i32
    %scan3A_40 = arith.constant 1 : i32
    %scan3A_41 = arith.constant 2 : i32
    %scan3A_42 = arith.constant 0 : i32
    %scan3A_43 = arith.constant 0 : i32
    %scan3A_44 = arith.constant 40 : i32
    %scan3A_45 = arith.addi %scan3A_43, %scan3A_44 : i32
    %scan3A_46 = arith.constant 1 : i32
    %scan3A_47 = scf.for %scan3A_123 = %scan3A_43 to %scan3A_45 step %scan3A_46 iter_args(%scan3A_124 = %scan3A_42) -> (i32)  : i32 {
      %mul3A_125 = arith.constant 5 : i32
      %mul3A_126 = arith.muli %mul3A_125, %scan3A_123 : i32
      %add3A_127 = arith.constant 0 : i32
      %add3A_128 = arith.addi %mul3A_126, %add3A_127 : i32
      %add3A_129 = arith.constant 3 : i32
      %add3A_130 = arith.addi %add3A_128, %add3A_129 : i32
      %lt3A = arith.constant 200 : i32
      %lt3A_131 = arith.cmpi slt, %add3A_130, %lt3A : i32
      %convert_element_type3A = arith.extui %lt3A_131 : i1 to i32
      %cond3A = arith.constant 0 : i32
      %cond3A_132 = arith.cmpi ne, %convert_element_type3A, %cond3A : i32
      scf.if %cond3A_132 {
        %ge3A = arith.constant 5 : i32
        %ge3A_343 = arith.cmpi sge, %add3A_130, %ge3A : i32
        %convert_element_type3A_344 = arith.extui %ge3A_343 : i1 to i32
        %cond3A_345 = arith.constant 0 : i32
        %cond3A_346 = arith.cmpi ne, %convert_element_type3A_344, %cond3A_345 : i32
        scf.if %cond3A_346 {
          %dma_wait3A_357 = arith.constant 0 : i32
          %dma_wait3A_358 = arith.constant 0 : i32
          %dma_wait3A_359 = tpu.memref_slice %arg6[%scan3A, %dma_wait3A_357, %dma_wait3A_358] : memref<5x128x128xf32, #tpu.memory_space<vmem>> -> memref<1x128x128xf32, #tpu.memory_space<vmem>>
          %dma_wait3A_360 = tpu.memref_squeeze %dma_wait3A_359 : memref<1x128x128xf32, #tpu.memory_space<vmem>> -> memref<128x128xf32, #tpu.memory_space<vmem>>
          %dma_wait3A_361 = arith.constant 0 : i32
          %dma_wait3A_362 = arith.constant 0 : i32
          %dma_wait3A_363 = tpu.memref_slice %arg4[%dma_wait3A_361, %dma_wait3A_362] : memref<819200x128xf32, #tpu.memory_space<hbm>> -> memref<128x128xf32, #tpu.memory_space<hbm>>
          %dma_wait3A_364 = arith.constant 0 : i32
          %dma_wait3A_365 = arith.constant 0 : i32
          %dma_wait3A_366 = tpu.memref_slice %arg4[%dma_wait3A_364, %dma_wait3A_365] : memref<819200x128xf32, #tpu.memory_space<hbm>> -> memref<128x128xf32, #tpu.memory_space<hbm>>
          %dma_wait3A_367 = arith.constant 0 : i32
          %dma_wait3A_368 = arith.constant 0 : i32
          %dma_wait3A_369 = tpu.memref_slice %arg6[%scan3A, %dma_wait3A_367, %dma_wait3A_368] : memref<5x128x128xf32, #tpu.memory_space<vmem>> -> memref<1x128x128xf32, #tpu.memory_space<vmem>>
          %dma_wait3A_370 = tpu.memref_squeeze %dma_wait3A_369 : memref<1x128x128xf32, #tpu.memory_space<vmem>> -> memref<128x128xf32, #tpu.memory_space<vmem>>
          tpu.wait_dma2 semaphore(%arg15 : memref<!tpu.dma_semaphore, #tpu.memory_space<semaphore_mem>>) src(%dma_wait3A_370 : memref<128x128xf32, #tpu.memory_space<vmem>>) dst(%dma_wait3A_366 : memref<128x128xf32, #tpu.memory_space<hbm>>)
        } else {
        }
        %dma_start3A_347 = arith.constant 0 : i32
        %dma_start3A_348 = arith.constant 0 : i32
        %dma_start3A_349 = tpu.memref_slice %arg6[%scan3A, %dma_start3A_347, %dma_start3A_348] : memref<5x128x128xf32, #tpu.memory_space<vmem>> -> memref<1x128x128xf32, #tpu.memory_space<vmem>>
        %dma_start3A_350 = tpu.memref_squeeze %dma_start3A_349 : memref<1x128x128xf32, #tpu.memory_space<vmem>> -> memref<128x128xf32, #tpu.memory_space<vmem>>
        %dma_start3A_351 = arith.constant 0 : i32
        %dma_start3A_352 = tpu.memref_slice %arg5[%add3A_130, %dma_start3A_351] : memref<200x128xi32, #tpu.memory_space<vmem>> -> memref<1x128xi32, #tpu.memory_space<vmem>>
        %dma_start3A_353 = tpu.memref_squeeze %dma_start3A_352 : memref<1x128xi32, #tpu.memory_space<vmem>> -> memref<128xi32, #tpu.memory_space<vmem>>
        %dma_start3A_354 = arith.constant 0 : i32
        %dma_start3A_355 = arith.constant 0 : i32
        %dma_start3A_356 = tpu.memref_slice %arg2[%dma_start3A_354, %dma_start3A_355] : memref<100000x128xf32, #tpu.memory_space<hbm>> -> memref<100000x128xf32, #tpu.memory_space<hbm>>
        tpu.enqueue_indirect_dma source(%dma_start3A_356 : memref<100000x128xf32, #tpu.memory_space<hbm>>) target(%dma_start3A_350 : memref<128x128xf32, #tpu.memory_space<vmem>>) offsets(%dma_start3A_353 : memref<128xi32, #tpu.memory_space<vmem>>) semaphore(%arg10 : memref<!tpu.dma_semaphore, #tpu.memory_space<semaphore_mem>>)
      } else {
      }
      %dma_wait3A_133 = arith.constant 0 : i32
      %dma_wait3A_134 = arith.constant 0 : i32
      %dma_wait3A_135 = arith.constant 0 : i32
      %dma_wait3A_136 = tpu.memref_slice %arg6[%scan3A_38, %dma_wait3A_134, %dma_wait3A_135] : memref<5x128x128xf32, #tpu.memory_space<vmem>> -> memref<1x128x128xf32, #tpu.memory_space<vmem>>
      %dma_wait3A_137 = tpu.memref_squeeze %dma_wait3A_136 : memref<1x128x128xf32, #tpu.memory_space<vmem>> -> memref<128x128xf32, #tpu.memory_space<vmem>>
      %dma_wait3A_138 = arith.constant 0 : i32
      %dma_wait3A_139 = tpu.memref_slice %arg5[%dma_wait3A_133, %dma_wait3A_138] : memref<200x128xi32, #tpu.memory_space<vmem>> -> memref<1x128xi32, #tpu.memory_space<vmem>>
      %dma_wait3A_140 = tpu.memref_squeeze %dma_wait3A_139 : memref<1x128xi32, #tpu.memory_space<vmem>> -> memref<128xi32, #tpu.memory_space<vmem>>
      %dma_wait3A_141 = arith.constant 0 : i32
      %dma_wait3A_142 = arith.constant 0 : i32
      %dma_wait3A_143 = tpu.memref_slice %arg2[%dma_wait3A_141, %dma_wait3A_142] : memref<100000x128xf32, #tpu.memory_space<hbm>> -> memref<100000x128xf32, #tpu.memory_space<hbm>>
      tpu.wait_indirect_dma semaphore(%arg7 : memref<!tpu.dma_semaphore, #tpu.memory_space<semaphore_mem>>) src(%dma_wait3A_143 : memref<100000x128xf32, #tpu.memory_space<hbm>>) dst(%dma_wait3A_137 : memref<128x128xf32, #tpu.memory_space<vmem>>)
      %scan3A_144 = arith.constant 0 : i32
      %scan3A_145 = arith.constant 0 : i32
      %scan3A_146 = arith.constant 128 : i32
      %scan3A_147 = arith.addi %scan3A_145, %scan3A_146 : i32
      %scan3A_148 = arith.constant 2 : i32
      %scan3A_149 = scf.for %scan3A_343 = %scan3A_145 to %scan3A_147 step %scan3A_148 iter_args(%scan3A_344 = %scan3A_144) -> (i32)  : i32 {
        %get3A = arith.constant 0 : i32
        %get3A_345 = arith.index_cast %get3A : i32 to index
        %get3A_346 = arith.index_cast %scan3A_343 : i32 to index
        %get3A_347 = arith.constant 0 : index
        %get3A_348 = tpu.vector_load %arg6[%get3A_345, %get3A_346, %get3A_347] {strides = array<i32>} : memref<5x128x128xf32, #tpu.memory_space<vmem>>, vector<1x1x16xf32>,
        %get3A_349 = vector.shape_cast %get3A_348 : vector<1x1x16xf32> to vector<16xf32>
        %mul3A_350 = arith.constant 11.3137083 : f32
        %mul3A_351 = vector.broadcast %mul3A_350 : f32 to vector<16xf32>
        %mul3A_352 = arith.mulf %get3A_349, %mul3A_351 : vector<16xf32>
        %swap3A = arith.constant 0 : i32
        %swap3A_353 = arith.index_cast %swap3A : i32 to index
        %swap3A_354 = arith.index_cast %scan3A_343 : i32 to index
        %swap3A_355 = arith.constant 0 : index
        %swap3A_356 = tpu.vector_load %arg6[%swap3A_353, %swap3A_354, %swap3A_355] {strides = array<i32>} : memref<5x128x128xf32, #tpu.memory_space<vmem>>, vector<1x1x16xf32>,
        %swap3A_357 = vector.shape_cast %swap3A_356 : vector<1x1x16xf32> to vector<16xf32>
        %swap3A_358 = vector.shape_cast %mul3A_352 : vector<16xf32> to vector<1x1x16xf32>
        tpu.vector_store %arg6[%swap3A_353, %swap3A_354, %swap3A_355], %swap3A_358 {strides = array<i32>} : memref<5x128x128xf32, #tpu.memory_space<vmem>>, vector<1x1x16xf32>,
        %get3A_359 = arith.constant 0 : i32
        %get3A_360 = arith.index_cast %get3A_359 : i32 to index
        %get3A_361 = arith.index_cast %scan3A_343 : i32 to index
        %get3A_362 = arith.constant 16 : index
        %get3A_363 = tpu.vector_load %arg6[%get3A_360, %get3A_361, %get3A_362] {strides = array<i32>} : memref<5x128x128xf32, #tpu.memory_space<vmem>>, vector<1x1x16xf32>,
        %get3A_364 = vector.shape_cast %get3A_363 : vector<1x1x16xf32> to vector<16xf32>
        %mul3A_365 = arith.constant 11.3137083 : f32
        %mul3A_366 = vector.broadcast %mul3A_365 : f32 to vector<16xf32>
        %mul3A_367 = arith.mulf %get3A_364, %mul3A_366 : vector<16xf32>
        %swap3A_368 = arith.constant 0 : i32
        %swap3A_369 = arith.index_cast %swap3A_368 : i32 to index
        %swap3A_370 = arith.index_cast %scan3A_343 : i32 to index
        %swap3A_371 = arith.constant 16 : index
        %swap3A_372 = tpu.vector_load %arg6[%swap3A_369, %swap3A_370, %swap3A_371] {strides = array<i32>} : memref<5x128x128xf32, #tpu.memory_space<vmem>>, vector<1x1x16xf32>,
        %swap3A_373 = vector.shape_cast %swap3A_372 : vector<1x1x16xf32> to vector<16xf32>
        %swap3A_374 = vector.shape_cast %mul3A_367 : vector<16xf32> to vector<1x1x16xf32>
        tpu.vector_store %arg6[%swap3A_369, %swap3A_370, %swap3A_371], %swap3A_374 {strides = array<i32>} : memref<5x128x128xf32, #tpu.memory_space<vmem>>, vector<1x1x16xf32>,
        %get3A_375 = arith.constant 0 : i32
        %get3A_376 = arith.index_cast %get3A_375 : i32 to index
        %get3A_377 = arith.index_cast %scan3A_343 : i32 to index
        %get3A_378 = arith.constant 32 : index
        %get3A_379 = tpu.vector_load %arg6[%get3A_376, %get3A_377, %get3A_378] {strides = array<i32>} : memref<5x128x128xf32, #tpu.memory_space<vmem>>, vector<1x1x16xf32>,
        %get3A_380 = vector.shape_cast %get3A_379 : vector<1x1x16xf32> to vector<16xf32>
        %mul3A_381 = arith.constant 11.3137083 : f32
        %mul3A_382 = vector.broadcast %mul3A_381 : f32 to vector<16xf32>
        %mul3A_383 = arith.mulf %get3A_380, %mul3A_382 : vector<16xf32>
        %swap3A_384 = arith.constant 0 : i32
        %swap3A_385 = arith.index_cast %swap3A_384 : i32 to index
        %swap3A_386 = arith.index_cast %scan3A_343 : i32 to index
        %swap3A_387 = arith.constant 32 : index
        %swap3A_388 = tpu.vector_load %arg6[%swap3A_385, %swap3A_386, %swap3A_387] {strides = array<i32>} : memref<5x128x128xf32, #tpu.memory_space<vmem>>, vector<1x1x16xf32>,
        %swap3A_389 = vector.shape_cast %swap3A_388 : vector<1x1x16xf32> to vector<16xf32>
        %swap3A_390 = vector.shape_cast %mul3A_383 : vector<16xf32> to vector<1x1x16xf32>
        tpu.vector_store %arg6[%swap3A_385, %swap3A_386, %swap3A_387], %swap3A_390 {strides = array<i32>} : memref<5x128x128xf32, #tpu.memory_space<vmem>>, vector<1x1x16xf32>,
        %get3A_391 = arith.constant 0 : i32
        %get3A_392 = arith.index_cast %get3A_391 : i32 to index
        %get3A_393 = arith.index_cast %scan3A_343 : i32 to index
        %get3A_394 = arith.constant 48 : index
        %get3A_395 = tpu.vector_load %arg6[%get3A_392, %get3A_393, %get3A_394] {strides = array<i32>} : memref<5x128x128xf32, #tpu.memory_space<vmem>>, vector<1x1x16xf32>,
        %get3A_396 = vector.shape_cast %get3A_395 : vector<1x1x16xf32> to vector<16xf32>
        %mul3A_397 = arith.constant 11.3137083 : f32
        %mul3A_398 = vector.broadcast %mul3A_397 : f32 to vector<16xf32>
        %mul3A_399 = arith.mulf %get3A_396, %mul3A_398 : vector<16xf32>
        %swap3A_400 = arith.constant 0 : i32
        %swap3A_401 = arith.index_cast %swap3A_400 : i32 to index
        %swap3A_402 = arith.index_cast %scan3A_343 : i32 to index
        %swap3A_403 = arith.constant 48 : index
        %swap3A_404 = tpu.vector_load %arg6[%swap3A_401, %swap3A_402, %swap3A_403] {strides = array<i32>} : memref<5x128x128xf32, #tpu.memory_space<vmem>>, vector<1x1x16xf32>,
        %swap3A_405 = vector.shape_cast %swap3A_404 : vector<1x1x16xf32> to vector<16xf32>
        %swap3A_406 = vector.shape_cast %mul3A_399 : vector<16xf32> to vector<1x1x16xf32>
        tpu.vector_store %arg6[%swap3A_401, %swap3A_402, %swap3A_403], %swap3A_406 {strides = array<i32>} : memref<5x128x128xf32, #tpu.memory_space<vmem>>, vector<1x1x16xf32>,
        %get3A_407 = arith.constant 0 : i32
        %get3A_408 = arith.index_cast %get3A_407 : i32 to index
        %get3A_409 = arith.index_cast %scan3A_343 : i32 to index
        %get3A_410 = arith.constant 64 : index
        %get3A_411 = tpu.vector_load %arg6[%get3A_408, %get3A_409, %get3A_410] {strides = array<i32>} : memref<5x128x128xf32, #tpu.memory_space<vmem>>, vector<1x1x16xf32>,
        %get3A_412 = vector.shape_cast %get3A_411 : vector<1x1x16xf32> to vector<16xf32>
        %mul3A_413 = arith.constant 11.3137083 : f32
        %mul3A_414 = vector.broadcast %mul3A_413 : f32 to vector<16xf32>
        %mul3A_415 = arith.mulf %get3A_412, %mul3A_414 : vector<16xf32>
        %swap3A_416 = arith.constant 0 : i32
        %swap3A_417 = arith.index_cast %swap3A_416 : i32 to index
        %swap3A_418 = arith.index_cast %scan3A_343 : i32 to index
        %swap3A_419 = arith.constant 64 : index
        %swap3A_420 = tpu.vector_load %arg6[%swap3A_417, %swap3A_418, %swap3A_419] {strides = array<i32>} : memref<5x128x128xf32, #tpu.memory_space<vmem>>, vector<1x1x16xf32>,
        %swap3A_421 = vector.shape_cast %swap3A_420 : vector<1x1x16xf32> to vector<16xf32>
        %swap3A_422 = vector.shape_cast %mul3A_415 : vector<16xf32> to vector<1x1x16xf32>
        tpu.vector_store %arg6[%swap3A_417, %swap3A_418, %swap3A_419], %swap3A_422 {strides = array<i32>} : memref<5x128x128xf32, #tpu.memory_space<vmem>>, vector<1x1x16xf32>,
        %get3A_423 = arith.constant 0 : i32
        %get3A_424 = arith.index_cast %get3A_423 : i32 to index
        %get3A_425 = arith.index_cast %scan3A_343 : i32 to index
        %get3A_426 = arith.constant 80 : index
        %get3A_427 = tpu.vector_load %arg6[%get3A_424, %get3A_425, %get3A_426] {strides = array<i32>} : memref<5x128x128xf32, #tpu.memory_space<vmem>>, vector<1x1x16xf32>,
        %get3A_428 = vector.shape_cast %get3A_427 : vector<1x1x16xf32> to vector<16xf32>
        %mul3A_429 = arith.constant 11.3137083 : f32
        %mul3A_430 = vector.broadcast %mul3A_429 : f32 to vector<16xf32>
        %mul3A_431 = arith.mulf %get3A_428, %mul3A_430 : vector<16xf32>
        %swap3A_432 = arith.constant 0 : i32
        %swap3A_433 = arith.index_cast %swap3A_432 : i32 to index
        %swap3A_434 = arith.index_cast %scan3A_343 : i32 to index
        %swap3A_435 = arith.constant 80 : index
        %swap3A_436 = tpu.vector_load %arg6[%swap3A_433, %swap3A_434, %swap3A_435] {strides = array<i32>} : memref<5x128x128xf32, #tpu.memory_space<vmem>>, vector<1x1x16xf32>,
        %swap3A_437 = vector.shape_cast %swap3A_436 : vector<1x1x16xf32> to vector<16xf32>
        %swap3A_438 = vector.shape_cast %mul3A_431 : vector<16xf32> to vector<1x1x16xf32>
        tpu.vector_store %arg6[%swap3A_433, %swap3A_434, %swap3A_435], %swap3A_438 {strides = array<i32>} : memref<5x128x128xf32, #tpu.memory_space<vmem>>, vector<1x1x16xf32>,
        %get3A_439 = arith.constant 0 : i32
        %get3A_440 = arith.index_cast %get3A_439 : i32 to index
        %get3A_441 = arith.index_cast %scan3A_343 : i32 to index
        %get3A_442 = arith.constant 96 : index
        %get3A_443 = tpu.vector_load %arg6[%get3A_440, %get3A_441, %get3A_442] {strides = array<i32>} : memref<5x128x128xf32, #tpu.memory_space<vmem>>, vector<1x1x16xf32>,
        %get3A_444 = vector.shape_cast %get3A_443 : vector<1x1x16xf32> to vector<16xf32>
        %mul3A_445 = arith.constant 11.3137083 : f32
        %mul3A_446 = vector.broadcast %mul3A_445 : f32 to vector<16xf32>
        %mul3A_447 = arith.mulf %get3A_444, %mul3A_446 : vector<16xf32>
        %swap3A_448 = arith.constant 0 : i32
        %swap3A_449 = arith.index_cast %swap3A_448 : i32 to index
        %swap3A_450 = arith.index_cast %scan3A_343 : i32 to index
        %swap3A_451 = arith.constant 96 : index
        %swap3A_452 = tpu.vector_load %arg6[%swap3A_449, %swap3A_450, %swap3A_451] {strides = array<i32>} : memref<5x128x128xf32, #tpu.memory_space<vmem>>, vector<1x1x16xf32>,
        %swap3A_453 = vector.shape_cast %swap3A_452 : vector<1x1x16xf32> to vector<16xf32>
        %swap3A_454 = vector.shape_cast %mul3A_447 : vector<16xf32> to vector<1x1x16xf32>
        tpu.vector_store %arg6[%swap3A_449, %swap3A_450, %swap3A_451], %swap3A_454 {strides = array<i32>} : memref<5x128x128xf32, #tpu.memory_space<vmem>>, vector<1x1x16xf32>,
        %get3A_455 = arith.constant 0 : i32
        %get3A_456 = arith.index_cast %get3A_455 : i32 to index
        %get3A_457 = arith.index_cast %scan3A_343 : i32 to index
        %get3A_458 = arith.constant 112 : index
        %get3A_459 = tpu.vector_load %arg6[%get3A_456, %get3A_457, %get3A_458] {strides = array<i32>} : memref<5x128x128xf32, #tpu.memory_space<vmem>>, vector<1x1x16xf32>,
        %get3A_460 = vector.shape_cast %get3A_459 : vector<1x1x16xf32> to vector<16xf32>
        %mul3A_461 = arith.constant 11.3137083 : f32
        %mul3A_462 = vector.broadcast %mul3A_461 : f32 to vector<16xf32>
        %mul3A_463 = arith.mulf %get3A_460, %mul3A_462 : vector<16xf32>
        %swap3A_464 = arith.constant 0 : i32
        %swap3A_465 = arith.index_cast %swap3A_464 : i32 to index
        %swap3A_466 = arith.index_cast %scan3A_343 : i32 to index
        %swap3A_467 = arith.constant 112 : index
        %swap3A_468 = tpu.vector_load %arg6[%swap3A_465, %swap3A_466, %swap3A_467] {strides = array<i32>} : memref<5x128x128xf32, #tpu.memory_space<vmem>>, vector<1x1x16xf32>,
        %swap3A_469 = vector.shape_cast %swap3A_468 : vector<1x1x16xf32> to vector<16xf32>
        %swap3A_470 = vector.shape_cast %mul3A_463 : vector<16xf32> to vector<1x1x16xf32>
        tpu.vector_store %arg6[%swap3A_465, %swap3A_466, %swap3A_467], %swap3A_470 {strides = array<i32>} : memref<5x128x128xf32, #tpu.memory_space<vmem>>, vector<1x1x16xf32>,
        %scan3A_471 = arith.constant 0 : i32
        %scan3A_472 = arith.constant 1 : i32
        %scan3A_473 = arith.addi %scan3A_343, %scan3A_472 : i32
        %get3A_474 = arith.constant 0 : i32
        %get3A_475 = arith.index_cast %get3A_474 : i32 to index
        %get3A_476 = arith.index_cast %scan3A_473 : i32 to index
        %get3A_477 = arith.constant 0 : index
        %get3A_478 = tpu.vector_load %arg6[%get3A_475, %get3A_476, %get3A_477] {strides = array<i32>} : memref<5x128x128xf32, #tpu.memory_space<vmem>>, vector<1x1x16xf32>,
        %get3A_479 = vector.shape_cast %get3A_478 : vector<1x1x16xf32> to vector<16xf32>
        %mul3A_480 = arith.constant 11.3137083 : f32
        %mul3A_481 = vector.broadcast %mul3A_480 : f32 to vector<16xf32>
        %mul3A_482 = arith.mulf %get3A_479, %mul3A_481 : vector<16xf32>
        %swap3A_483 = arith.constant 0 : i32
        %swap3A_484 = arith.index_cast %swap3A_483 : i32 to index
        %swap3A_485 = arith.index_cast %scan3A_473 : i32 to index
        %swap3A_486 = arith.constant 0 : index
        %swap3A_487 = tpu.vector_load %arg6[%swap3A_484, %swap3A_485, %swap3A_486] {strides = array<i32>} : memref<5x128x128xf32, #tpu.memory_space<vmem>>, vector<1x1x16xf32>,
        %swap3A_488 = vector.shape_cast %swap3A_487 : vector<1x1x16xf32> to vector<16xf32>
        %swap3A_489 = vector.shape_cast %mul3A_482 : vector<16xf32> to vector<1x1x16xf32>
        tpu.vector_store %arg6[%swap3A_484, %swap3A_485, %swap3A_486], %swap3A_489 {strides = array<i32>} : memref<5x128x128xf32, #tpu.memory_space<vmem>>, vector<1x1x16xf32>,
        %get3A_490 = arith.constant 0 : i32
        %get3A_491 = arith.index_cast %get3A_490 : i32 to index
        %get3A_492 = arith.index_cast %scan3A_473 : i32 to index
        %get3A_493 = arith.constant 16 : index
        %get3A_494 = tpu.vector_load %arg6[%get3A_491, %get3A_492, %get3A_493] {strides = array<i32>} : memref<5x128x128xf32, #tpu.memory_space<vmem>>, vector<1x1x16xf32>,
        %get3A_495 = vector.shape_cast %get3A_494 : vector<1x1x16xf32> to vector<16xf32>
        %mul3A_496 = arith.constant 11.3137083 : f32
        %mul3A_497 = vector.broadcast %mul3A_496 : f32 to vector<16xf32>
        %mul3A_498 = arith.mulf %get3A_495, %mul3A_497 : vector<16xf32>
        %swap3A_499 = arith.constant 0 : i32
        %swap3A_500 = arith.index_cast %swap3A_499 : i32 to index
        %swap3A_501 = arith.index_cast %scan3A_473 : i32 to index
        %swap3A_502 = arith.constant 16 : index
        %swap3A_503 = tpu.vector_load %arg6[%swap3A_500, %swap3A_501, %swap3A_502] {strides = array<i32>} : memref<5x128x128xf32, #tpu.memory_space<vmem>>, vector<1x1x16xf32>,
        %swap3A_504 = vector.shape_cast %swap3A_503 : vector<1x1x16xf32> to vector<16xf32>
        %swap3A_505 = vector.shape_cast %mul3A_498 : vector<16xf32> to vector<1x1x16xf32>
        tpu.vector_store %arg6[%swap3A_500, %swap3A_501, %swap3A_502], %swap3A_505 {strides = array<i32>} : memref<5x128x128xf32, #tpu.memory_space<vmem>>, vector<1x1x16xf32>,
        %get3A_506 = arith.constant 0 : i32
        %get3A_507 = arith.index_cast %get3A_506 : i32 to index
        %get3A_508 = arith.index_cast %scan3A_473 : i32 to index
        %get3A_509 = arith.constant 32 : index
        %get3A_510 = tpu.vector_load %arg6[%get3A_507, %get3A_508, %get3A_509] {strides = array<i32>} : memref<5x128x128xf32, #tpu.memory_space<vmem>>, vector<1x1x16xf32>,
        %get3A_511 = vector.shape_cast %get3A_510 : vector<1x1x16xf32> to vector<16xf32>
        %mul3A_512 = arith.constant 11.3137083 : f32
        %mul3A_513 = vector.broadcast %mul3A_512 : f32 to vector<16xf32>
        %mul3A_514 = arith.mulf %get3A_511, %mul3A_513 : vector<16xf32>
        %swap3A_515 = arith.constant 0 : i32
        %swap3A_516 = arith.index_cast %swap3A_515 : i32 to index
        %swap3A_517 = arith.index_cast %scan3A_473 : i32 to index
        %swap3A_518 = arith.constant 32 : index
        %swap3A_519 = tpu.vector_load %arg6[%swap3A_516, %swap3A_517, %swap3A_518] {strides = array<i32>} : memref<5x128x128xf32, #tpu.memory_space<vmem>>, vector<1x1x16xf32>,
        %swap3A_520 = vector.shape_cast %swap3A_519 : vector<1x1x16xf32> to vector<16xf32>
        %swap3A_521 = vector.shape_cast %mul3A_514 : vector<16xf32> to vector<1x1x16xf32>
        tpu.vector_store %arg6[%swap3A_516, %swap3A_517, %swap3A_518], %swap3A_521 {strides = array<i32>} : memref<5x128x128xf32, #tpu.memory_space<vmem>>, vector<1x1x16xf32>,
        %get3A_522 = arith.constant 0 : i32
        %get3A_523 = arith.index_cast %get3A_522 : i32 to index
        %get3A_524 = arith.index_cast %scan3A_473 : i32 to index
        %get3A_525 = arith.constant 48 : index
        %get3A_526 = tpu.vector_load %arg6[%get3A_523, %get3A_524, %get3A_525] {strides = array<i32>} : memref<5x128x128xf32, #tpu.memory_space<vmem>>, vector<1x1x16xf32>,
        %get3A_527 = vector.shape_cast %get3A_526 : vector<1x1x16xf32> to vector<16xf32>
        %mul3A_528 = arith.constant 11.3137083 : f32
        %mul3A_529 = vector.broadcast %mul3A_528 : f32 to vector<16xf32>
        %mul3A_530 = arith.mulf %get3A_527, %mul3A_529 : vector<16xf32>
        %swap3A_531 = arith.constant 0 : i32
        %swap3A_532 = arith.index_cast %swap3A_531 : i32 to index
        %swap3A_533 = arith.index_cast %scan3A_473 : i32 to index
        %swap3A_534 = arith.constant 48 : index
        %swap3A_535 = tpu.vector_load %arg6[%swap3A_532, %swap3A_533, %swap3A_534] {strides = array<i32>} : memref<5x128x128xf32, #tpu.memory_space<vmem>>, vector<1x1x16xf32>,
        %swap3A_536 = vector.shape_cast %swap3A_535 : vector<1x1x16xf32> to vector<16xf32>
        %swap3A_537 = vector.shape_cast %mul3A_530 : vector<16xf32> to vector<1x1x16xf32>
        tpu.vector_store %arg6[%swap3A_532, %swap3A_533, %swap3A_534], %swap3A_537 {strides = array<i32>} : memref<5x128x128xf32, #tpu.memory_space<vmem>>, vector<1x1x16xf32>,
        %get3A_538 = arith.constant 0 : i32
        %get3A_539 = arith.index_cast %get3A_538 : i32 to index
        %get3A_540 = arith.index_cast %scan3A_473 : i32 to index
        %get3A_541 = arith.constant 64 : index
        %get3A_542 = tpu.vector_load %arg6[%get3A_539, %get3A_540, %get3A_541] {strides = array<i32>} : memref<5x128x128xf32, #tpu.memory_space<vmem>>, vector<1x1x16xf32>,
        %get3A_543 = vector.shape_cast %get3A_542 : vector<1x1x16xf32> to vector<16xf32>
        %mul3A_544 = arith.constant 11.3137083 : f32
        %mul3A_545 = vector.broadcast %mul3A_544 : f32 to vector<16xf32>
        %mul3A_546 = arith.mulf %get3A_543, %mul3A_545 : vector<16xf32>
        %swap3A_547 = arith.constant 0 : i32
        %swap3A_548 = arith.index_cast %swap3A_547 : i32 to index
        %swap3A_549 = arith.index_cast %scan3A_473 : i32 to index
        %swap3A_550 = arith.constant 64 : index
        %swap3A_551 = tpu.vector_load %arg6[%swap3A_548, %swap3A_549, %swap3A_550] {strides = array<i32>} : memref<5x128x128xf32, #tpu.memory_space<vmem>>, vector<1x1x16xf32>,
        %swap3A_552 = vector.shape_cast %swap3A_551 : vector<1x1x16xf32> to vector<16xf32>
        %swap3A_553 = vector.shape_cast %mul3A_546 : vector<16xf32> to vector<1x1x16xf32>
        tpu.vector_store %arg6[%swap3A_548, %swap3A_549, %swap3A_550], %swap3A_553 {strides = array<i32>} : memref<5x128x128xf32, #tpu.memory_space<vmem>>, vector<1x1x16xf32>,
        %get3A_554 = arith.constant 0 : i32
        %get3A_555 = arith.index_cast %get3A_554 : i32 to index
        %get3A_556 = arith.index_cast %scan3A_473 : i32 to index
        %get3A_557 = arith.constant 80 : index
        %get3A_558 = tpu.vector_load %arg6[%get3A_555, %get3A_556, %get3A_557] {strides = array<i32>} : memref<5x128x128xf32, #tpu.memory_space<vmem>>, vector<1x1x16xf32>,
        %get3A_559 = vector.shape_cast %get3A_558 : vector<1x1x16xf32> to vector<16xf32>
        %mul3A_560 = arith.constant 11.3137083 : f32
        %mul3A_561 = vector.broadcast %mul3A_560 : f32 to vector<16xf32>
        %mul3A_562 = arith.mulf %get3A_559, %mul3A_561 : vector<16xf32>
        %swap3A_563 = arith.constant 0 : i32
        %swap3A_564 = arith.index_cast %swap3A_563 : i32 to index
        %swap3A_565 = arith.index_cast %scan3A_473 : i32 to index
        %swap3A_566 = arith.constant 80 : index
        %swap3A_567 = tpu.vector_load %arg6[%swap3A_564, %swap3A_565, %swap3A_566] {strides = array<i32>} : memref<5x128x128xf32, #tpu.memory_space<vmem>>, vector<1x1x16xf32>,
        %swap3A_568 = vector.shape_cast %swap3A_567 : vector<1x1x16xf32> to vector<16xf32>
        %swap3A_569 = vector.shape_cast %mul3A_562 : vector<16xf32> to vector<1x1x16xf32>
        tpu.vector_store %arg6[%swap3A_564, %swap3A_565, %swap3A_566], %swap3A_569 {strides = array<i32>} : memref<5x128x128xf32, #tpu.memory_space<vmem>>, vector<1x1x16xf32>,
        %get3A_570 = arith.constant 0 : i32
        %get3A_571 = arith.index_cast %get3A_570 : i32 to index
        %get3A_572 = arith.index_cast %scan3A_473 : i32 to index
        %get3A_573 = arith.constant 96 : index
        %get3A_574 = tpu.vector_load %arg6[%get3A_571, %get3A_572, %get3A_573] {strides = array<i32>} : memref<5x128x128xf32, #tpu.memory_space<vmem>>, vector<1x1x16xf32>,
        %get3A_575 = vector.shape_cast %get3A_574 : vector<1x1x16xf32> to vector<16xf32>
        %mul3A_576 = arith.constant 11.3137083 : f32
        %mul3A_577 = vector.broadcast %mul3A_576 : f32 to vector<16xf32>
        %mul3A_578 = arith.mulf %get3A_575, %mul3A_577 : vector<16xf32>
        %swap3A_579 = arith.constant 0 : i32
        %swap3A_580 = arith.index_cast %swap3A_579 : i32 to index
        %swap3A_581 = arith.index_cast %scan3A_473 : i32 to index
        %swap3A_582 = arith.constant 96 : index
        %swap3A_583 = tpu.vector_load %arg6[%swap3A_580, %swap3A_581, %swap3A_582] {strides = array<i32>} : memref<5x128x128xf32, #tpu.memory_space<vmem>>, vector<1x1x16xf32>,
        %swap3A_584 = vector.shape_cast %swap3A_583 : vector<1x1x16xf32> to vector<16xf32>
        %swap3A_585 = vector.shape_cast %mul3A_578 : vector<16xf32> to vector<1x1x16xf32>
        tpu.vector_store %arg6[%swap3A_580, %swap3A_581, %swap3A_582], %swap3A_585 {strides = array<i32>} : memref<5x128x128xf32, #tpu.memory_space<vmem>>, vector<1x1x16xf32>,
        %get3A_586 = arith.constant 0 : i32
        %get3A_587 = arith.index_cast %get3A_586 : i32 to index
        %get3A_588 = arith.index_cast %scan3A_473 : i32 to index
        %get3A_589 = arith.constant 112 : index
        %get3A_590 = tpu.vector_load %arg6[%get3A_587, %get3A_588, %get3A_589] {strides = array<i32>} : memref<5x128x128xf32, #tpu.memory_space<vmem>>, vector<1x1x16xf32>,
        %get3A_591 = vector.shape_cast %get3A_590 : vector<1x1x16xf32> to vector<16xf32>
        %mul3A_592 = arith.constant 11.3137083 : f32
        %mul3A_593 = vector.broadcast %mul3A_592 : f32 to vector<16xf32>
        %mul3A_594 = arith.mulf %get3A_591, %mul3A_593 : vector<16xf32>
        %swap3A_595 = arith.constant 0 : i32
        %swap3A_596 = arith.index_cast %swap3A_595 : i32 to index
        %swap3A_597 = arith.index_cast %scan3A_473 : i32 to index
        %swap3A_598 = arith.constant 112 : index
        %swap3A_599 = tpu.vector_load %arg6[%swap3A_596, %swap3A_597, %swap3A_598] {strides = array<i32>} : memref<5x128x128xf32, #tpu.memory_space<vmem>>, vector<1x1x16xf32>,
        %swap3A_600 = vector.shape_cast %swap3A_599 : vector<1x1x16xf32> to vector<16xf32>
        %swap3A_601 = vector.shape_cast %mul3A_594 : vector<16xf32> to vector<1x1x16xf32>
        tpu.vector_store %arg6[%swap3A_596, %swap3A_597, %swap3A_598], %swap3A_601 {strides = array<i32>} : memref<5x128x128xf32, #tpu.memory_space<vmem>>, vector<1x1x16xf32>,
        %scan3A_602 = arith.constant 0 : i32
        scf.yield %scan3A_602 : i32
      }
      %scan3A_150 = arith.constant 128 : i32
      %add3A_151 = arith.addi %mul3A_2, %add3A_128 : i32
      %mul3A_152 = arith.constant 128 : i32
      %mul3A_153 = arith.muli %add3A_151, %mul3A_152 : i32
      %dma_start3A_154 = arith.constant 0 : i32
      %dma_start3A_155 = arith.constant 0 : i32
      %dma_start3A_156 = tpu.memref_slice %arg6[%scan3A_38, %dma_start3A_154, %dma_start3A_155] : memref<5x128x128xf32, #tpu.memory_space<vmem>> -> memref<1x128x128xf32, #tpu.memory_space<vmem>>
      %dma_start3A_157 = tpu.memref_squeeze %dma_start3A_156 : memref<1x128x128xf32, #tpu.memory_space<vmem>> -> memref<128x128xf32, #tpu.memory_space<vmem>>
      %dma_start3A_158 = arith.constant 0 : i32
      %dma_start3A_159 = tpu.memref_slice %arg4[%mul3A_153, %dma_start3A_158] : memref<819200x128xf32, #tpu.memory_space<hbm>> -> memref<128x128xf32, #tpu.memory_space<hbm>>
      %dma_start3A_160 = arith.constant 0 : i32
      %dma_start3A_161 = tpu.memref_slice %arg4[%mul3A_153, %dma_start3A_160] : memref<819200x128xf32, #tpu.memory_space<hbm>> -> memref<128x128xf32, #tpu.memory_space<hbm>>
      %dma_start3A_162 = arith.constant 0 : i32
      %dma_start3A_163 = arith.constant 0 : i32
      %dma_start3A_164 = tpu.memref_slice %arg6[%scan3A_38, %dma_start3A_162, %dma_start3A_163] : memref<5x128x128xf32, #tpu.memory_space<vmem>> -> memref<1x128x128xf32, #tpu.memory_space<vmem>>
      %dma_start3A_165 = tpu.memref_squeeze %dma_start3A_164 : memref<1x128x128xf32, #tpu.memory_space<vmem>> -> memref<128x128xf32, #tpu.memory_space<vmem>>
      tpu.enqueue_dma source(%dma_start3A_165 : memref<128x128xf32, #tpu.memory_space<vmem>>) target(%dma_start3A_161 : memref<128x128xf32, #tpu.memory_space<hbm>>) target_semaphore(%arg12 : memref<!tpu.dma_semaphore, #tpu.memory_space<semaphore_mem>>)
      %mul3A_166 = arith.constant 5 : i32
      %mul3A_167 = arith.muli %mul3A_166, %scan3A_123 : i32
      %add3A_168 = arith.constant 1 : i32
      %add3A_169 = arith.addi %mul3A_167, %add3A_168 : i32
      %add3A_170 = arith.constant 3 : i32
      %add3A_171 = arith.addi %add3A_169, %add3A_170 : i32
      %lt3A_172 = arith.constant 200 : i32
      %lt3A_173 = arith.cmpi slt, %add3A_171, %lt3A_172 : i32
      %convert_element_type3A_174 = arith.extui %lt3A_173 : i1 to i32
      %cond3A_175 = arith.constant 0 : i32
      %cond3A_176 = arith.cmpi ne, %convert_element_type3A_174, %cond3A_175 : i32
      scf.if %cond3A_176 {
        %ge3A = arith.constant 5 : i32
        %ge3A_343 = arith.cmpi sge, %add3A_171, %ge3A : i32
        %convert_element_type3A_344 = arith.extui %ge3A_343 : i1 to i32
        %cond3A_345 = arith.constant 0 : i32
        %cond3A_346 = arith.cmpi ne, %convert_element_type3A_344, %cond3A_345 : i32
        scf.if %cond3A_346 {
          %dma_wait3A_357 = arith.constant 0 : i32
          %dma_wait3A_358 = arith.constant 0 : i32
          %dma_wait3A_359 = tpu.memref_slice %arg6[%scan3A_39, %dma_wait3A_357, %dma_wait3A_358] : memref<5x128x128xf32, #tpu.memory_space<vmem>> -> memref<1x128x128xf32, #tpu.memory_space<vmem>>
          %dma_wait3A_360 = tpu.memref_squeeze %dma_wait3A_359 : memref<1x128x128xf32, #tpu.memory_space<vmem>> -> memref<128x128xf32, #tpu.memory_space<vmem>>
          %dma_wait3A_361 = arith.constant 0 : i32
          %dma_wait3A_362 = arith.constant 0 : i32
          %dma_wait3A_363 = tpu.memref_slice %arg4[%dma_wait3A_361, %dma_wait3A_362] : memref<819200x128xf32, #tpu.memory_space<hbm>> -> memref<128x128xf32, #tpu.memory_space<hbm>>
          %dma_wait3A_364 = arith.constant 0 : i32
          %dma_wait3A_365 = arith.constant 0 : i32
          %dma_wait3A_366 = tpu.memref_slice %arg4[%dma_wait3A_364, %dma_wait3A_365] : memref<819200x128xf32, #tpu.memory_space<hbm>> -> memref<128x128xf32, #tpu.memory_space<hbm>>
          %dma_wait3A_367 = arith.constant 0 : i32
          %dma_wait3A_368 = arith.constant 0 : i32
          %dma_wait3A_369 = tpu.memref_slice %arg6[%scan3A_39, %dma_wait3A_367, %dma_wait3A_368] : memref<5x128x128xf32, #tpu.memory_space<vmem>> -> memref<1x128x128xf32, #tpu.memory_space<vmem>>
          %dma_wait3A_370 = tpu.memref_squeeze %dma_wait3A_369 : memref<1x128x128xf32, #tpu.memory_space<vmem>> -> memref<128x128xf32, #tpu.memory_space<vmem>>
          tpu.wait_dma2 semaphore(%arg16 : memref<!tpu.dma_semaphore, #tpu.memory_space<semaphore_mem>>) src(%dma_wait3A_370 : memref<128x128xf32, #tpu.memory_space<vmem>>) dst(%dma_wait3A_366 : memref<128x128xf32, #tpu.memory_space<hbm>>)
        } else {
        }
        %dma_start3A_347 = arith.constant 0 : i32
        %dma_start3A_348 = arith.constant 0 : i32
        %dma_start3A_349 = tpu.memref_slice %arg6[%scan3A_39, %dma_start3A_347, %dma_start3A_348] : memref<5x128x128xf32, #tpu.memory_space<vmem>> -> memref<1x128x128xf32, #tpu.memory_space<vmem>>
        %dma_start3A_350 = tpu.memref_squeeze %dma_start3A_349 : memref<1x128x128xf32, #tpu.memory_space<vmem>> -> memref<128x128xf32, #tpu.memory_space<vmem>>
        %dma_start3A_351 = arith.constant 0 : i32
        %dma_start3A_352 = tpu.memref_slice %arg5[%add3A_171, %dma_start3A_351] : memref<200x128xi32, #tpu.memory_space<vmem>> -> memref<1x128xi32, #tpu.memory_space<vmem>>
        %dma_start3A_353 = tpu.memref_squeeze %dma_start3A_352 : memref<1x128xi32, #tpu.memory_space<vmem>> -> memref<128xi32, #tpu.memory_space<vmem>>
        %dma_start3A_354 = arith.constant 0 : i32
        %dma_start3A_355 = arith.constant 0 : i32
        %dma_start3A_356 = tpu.memref_slice %arg2[%dma_start3A_354, %dma_start3A_355] : memref<100000x128xf32, #tpu.memory_space<hbm>> -> memref<100000x128xf32, #tpu.memory_space<hbm>>
        tpu.enqueue_indirect_dma source(%dma_start3A_356 : memref<100000x128xf32, #tpu.memory_space<hbm>>) target(%dma_start3A_350 : memref<128x128xf32, #tpu.memory_space<vmem>>) offsets(%dma_start3A_353 : memref<128xi32, #tpu.memory_space<vmem>>) semaphore(%arg11 : memref<!tpu.dma_semaphore, #tpu.memory_space<semaphore_mem>>)
      } else {
      }
      %dma_wait3A_177 = arith.constant 0 : i32
      %dma_wait3A_178 = arith.constant 0 : i32
      %dma_wait3A_179 = arith.constant 0 : i32
      %dma_wait3A_180 = tpu.memref_slice %arg6[%scan3A_40, %dma_wait3A_178, %dma_wait3A_179] : memref<5x128x128xf32, #tpu.memory_space<vmem>> -> memref<1x128x128xf32, #tpu.memory_space<vmem>>
      %dma_wait3A_181 = tpu.memref_squeeze %dma_wait3A_180 : memref<1x128x128xf32, #tpu.memory_space<vmem>> -> memref<128x128xf32, #tpu.memory_space<vmem>>
      %dma_wait3A_182 = arith.constant 0 : i32
      %dma_wait3A_183 = tpu.memref_slice %arg5[%dma_wait3A_177, %dma_wait3A_182] : memref<200x128xi32, #tpu.memory_space<vmem>> -> memref<1x128xi32, #tpu.memory_space<vmem>>
      %dma_wait3A_184 = tpu.memref_squeeze %dma_wait3A_183 : memref<1x128xi32, #tpu.memory_space<vmem>> -> memref<128xi32, #tpu.memory_space<vmem>>
      %dma_wait3A_185 = arith.constant 0 : i32
      %dma_wait3A_186 = arith.constant 0 : i32
      %dma_wait3A_187 = tpu.memref_slice %arg2[%dma_wait3A_185, %dma_wait3A_186] : memref<100000x128xf32, #tpu.memory_space<hbm>> -> memref<100000x128xf32, #tpu.memory_space<hbm>>
      tpu.wait_indirect_dma semaphore(%arg8 : memref<!tpu.dma_semaphore, #tpu.memory_space<semaphore_mem>>) src(%dma_wait3A_187 : memref<100000x128xf32, #tpu.memory_space<hbm>>) dst(%dma_wait3A_181 : memref<128x128xf32, #tpu.memory_space<vmem>>)
      %scan3A_188 = arith.constant 0 : i32
      %scan3A_189 = arith.constant 0 : i32
      %scan3A_190 = arith.constant 128 : i32
      %scan3A_191 = arith.addi %scan3A_189, %scan3A_190 : i32
      %scan3A_192 = arith.constant 2 : i32
      %scan3A_193 = scf.for %scan3A_343 = %scan3A_189 to %scan3A_191 step %scan3A_192 iter_args(%scan3A_344 = %scan3A_188) -> (i32)  : i32 {
        %get3A = arith.constant 1 : i32
        %get3A_345 = arith.index_cast %get3A : i32 to index
        %get3A_346 = arith.index_cast %scan3A_343 : i32 to index
        %get3A_347 = arith.constant 0 : index
        %get3A_348 = tpu.vector_load %arg6[%get3A_345, %get3A_346, %get3A_347] {strides = array<i32>} : memref<5x128x128xf32, #tpu.memory_space<vmem>>, vector<1x1x16xf32>,
        %get3A_349 = vector.shape_cast %get3A_348 : vector<1x1x16xf32> to vector<16xf32>
        %mul3A_350 = arith.constant 11.3137083 : f32
        %mul3A_351 = vector.broadcast %mul3A_350 : f32 to vector<16xf32>
        %mul3A_352 = arith.mulf %get3A_349, %mul3A_351 : vector<16xf32>
        %swap3A = arith.constant 1 : i32
        %swap3A_353 = arith.index_cast %swap3A : i32 to index
        %swap3A_354 = arith.index_cast %scan3A_343 : i32 to index
        %swap3A_355 = arith.constant 0 : index
        %swap3A_356 = tpu.vector_load %arg6[%swap3A_353, %swap3A_354, %swap3A_355] {strides = array<i32>} : memref<5x128x128xf32, #tpu.memory_space<vmem>>, vector<1x1x16xf32>,
        %swap3A_357 = vector.shape_cast %swap3A_356 : vector<1x1x16xf32> to vector<16xf32>
        %swap3A_358 = vector.shape_cast %mul3A_352 : vector<16xf32> to vector<1x1x16xf32>
        tpu.vector_store %arg6[%swap3A_353, %swap3A_354, %swap3A_355], %swap3A_358 {strides = array<i32>} : memref<5x128x128xf32, #tpu.memory_space<vmem>>, vector<1x1x16xf32>,
        %get3A_359 = arith.constant 1 : i32
        %get3A_360 = arith.index_cast %get3A_359 : i32 to index
        %get3A_361 = arith.index_cast %scan3A_343 : i32 to index
        %get3A_362 = arith.constant 16 : index
        %get3A_363 = tpu.vector_load %arg6[%get3A_360, %get3A_361, %get3A_362] {strides = array<i32>} : memref<5x128x128xf32, #tpu.memory_space<vmem>>, vector<1x1x16xf32>,
        %get3A_364 = vector.shape_cast %get3A_363 : vector<1x1x16xf32> to vector<16xf32>
        %mul3A_365 = arith.constant 11.3137083 : f32
        %mul3A_366 = vector.broadcast %mul3A_365 : f32 to vector<16xf32>
        %mul3A_367 = arith.mulf %get3A_364, %mul3A_366 : vector<16xf32>
        %swap3A_368 = arith.constant 1 : i32
        %swap3A_369 = arith.index_cast %swap3A_368 : i32 to index
        %swap3A_370 = arith.index_cast %scan3A_343 : i32 to index
        %swap3A_371 = arith.constant 16 : index
        %swap3A_372 = tpu.vector_load %arg6[%swap3A_369, %swap3A_370, %swap3A_371] {strides = array<i32>} : memref<5x128x128xf32, #tpu.memory_space<vmem>>, vector<1x1x16xf32>,
        %swap3A_373 = vector.shape_cast %swap3A_372 : vector<1x1x16xf32> to vector<16xf32>
        %swap3A_374 = vector.shape_cast %mul3A_367 : vector<16xf32> to vector<1x1x16xf32>
        tpu.vector_store %arg6[%swap3A_369, %swap3A_370, %swap3A_371], %swap3A_374 {strides = array<i32>} : memref<5x128x128xf32, #tpu.memory_space<vmem>>, vector<1x1x16xf32>,
        %get3A_375 = arith.constant 1 : i32
        %get3A_376 = arith.index_cast %get3A_375 : i32 to index
        %get3A_377 = arith.index_cast %scan3A_343 : i32 to index
        %get3A_378 = arith.constant 32 : index
        %get3A_379 = tpu.vector_load %arg6[%get3A_376, %get3A_377, %get3A_378] {strides = array<i32>} : memref<5x128x128xf32, #tpu.memory_space<vmem>>, vector<1x1x16xf32>,
        %get3A_380 = vector.shape_cast %get3A_379 : vector<1x1x16xf32> to vector<16xf32>
        %mul3A_381 = arith.constant 11.3137083 : f32
        %mul3A_382 = vector.broadcast %mul3A_381 : f32 to vector<16xf32>
        %mul3A_383 = arith.mulf %get3A_380, %mul3A_382 : vector<16xf32>
        %swap3A_384 = arith.constant 1 : i32
        %swap3A_385 = arith.index_cast %swap3A_384 : i32 to index
        %swap3A_386 = arith.index_cast %scan3A_343 : i32 to index
        %swap3A_387 = arith.constant 32 : index
        %swap3A_388 = tpu.vector_load %arg6[%swap3A_385, %swap3A_386, %swap3A_387] {strides = array<i32>} : memref<5x128x128xf32, #tpu.memory_space<vmem>>, vector<1x1x16xf32>,
        %swap3A_389 = vector.shape_cast %swap3A_388 : vector<1x1x16xf32> to vector<16xf32>
        %swap3A_390 = vector.shape_cast %mul3A_383 : vector<16xf32> to vector<1x1x16xf32>
        tpu.vector_store %arg6[%swap3A_385, %swap3A_386, %swap3A_387], %swap3A_390 {strides = array<i32>} : memref<5x128x128xf32, #tpu.memory_space<vmem>>, vector<1x1x16xf32>,
        %get3A_391 = arith.constant 1 : i32
        %get3A_392 = arith.index_cast %get3A_391 : i32 to index
        %get3A_393 = arith.index_cast %scan3A_343 : i32 to index
        %get3A_394 = arith.constant 48 : index
        %get3A_395 = tpu.vector_load %arg6[%get3A_392, %get3A_393, %get3A_394] {strides = array<i32>} : memref<5x128x128xf32, #tpu.memory_space<vmem>>, vector<1x1x16xf32>,
        %get3A_396 = vector.shape_cast %get3A_395 : vector<1x1x16xf32> to vector<16xf32>
        %mul3A_397 = arith.constant 11.3137083 : f32
        %mul3A_398 = vector.broadcast %mul3A_397 : f32 to vector<16xf32>
        %mul3A_399 = arith.mulf %get3A_396, %mul3A_398 : vector<16xf32>
        %swap3A_400 = arith.constant 1 : i32
        %swap3A_401 = arith.index_cast %swap3A_400 : i32 to index
        %swap3A_402 = arith.index_cast %scan3A_343 : i32 to index
        %swap3A_403 = arith.constant 48 : index
        %swap3A_404 = tpu.vector_load %arg6[%swap3A_401, %swap3A_402, %swap3A_403] {strides = array<i32>} : memref<5x128x128xf32, #tpu.memory_space<vmem>>, vector<1x1x16xf32>,
        %swap3A_405 = vector.shape_cast %swap3A_404 : vector<1x1x16xf32> to vector<16xf32>
        %swap3A_406 = vector.shape_cast %mul3A_399 : vector<16xf32> to vector<1x1x16xf32>
        tpu.vector_store %arg6[%swap3A_401, %swap3A_402, %swap3A_403], %swap3A_406 {strides = array<i32>} : memref<5x128x128xf32, #tpu.memory_space<vmem>>, vector<1x1x16xf32>,
        %get3A_407 = arith.constant 1 : i32
        %get3A_408 = arith.index_cast %get3A_407 : i32 to index
        %get3A_409 = arith.index_cast %scan3A_343 : i32 to index
        %get3A_410 = arith.constant 64 : index
        %get3A_411 = tpu.vector_load %arg6[%get3A_408, %get3A_409, %get3A_410] {strides = array<i32>} : memref<5x128x128xf32, #tpu.memory_space<vmem>>, vector<1x1x16xf32>,
        %get3A_412 = vector.shape_cast %get3A_411 : vector<1x1x16xf32> to vector<16xf32>
        %mul3A_413 = arith.constant 11.3137083 : f32
        %mul3A_414 = vector.broadcast %mul3A_413 : f32 to vector<16xf32>
        %mul3A_415 = arith.mulf %get3A_412, %mul3A_414 : vector<16xf32>
        %swap3A_416 = arith.constant 1 : i32
        %swap3A_417 = arith.index_cast %swap3A_416 : i32 to index
        %swap3A_418 = arith.index_cast %scan3A_343 : i32 to index
        %swap3A_419 = arith.constant 64 : index
        %swap3A_420 = tpu.vector_load %arg6[%swap3A_417, %swap3A_418, %swap3A_419] {strides = array<i32>} : memref<5x128x128xf32, #tpu.memory_space<vmem>>, vector<1x1x16xf32>,
        %swap3A_421 = vector.shape_cast %swap3A_420 : vector<1x1x16xf32> to vector<16xf32>
        %swap3A_422 = vector.shape_cast %mul3A_415 : vector<16xf32> to vector<1x1x16xf32>
        tpu.vector_store %arg6[%swap3A_417, %swap3A_418, %swap3A_419], %swap3A_422 {strides = array<i32>} : memref<5x128x128xf32, #tpu.memory_space<vmem>>, vector<1x1x16xf32>,
        %get3A_423 = arith.constant 1 : i32
        %get3A_424 = arith.index_cast %get3A_423 : i32 to index
        %get3A_425 = arith.index_cast %scan3A_343 : i32 to index
        %get3A_426 = arith.constant 80 : index
        %get3A_427 = tpu.vector_load %arg6[%get3A_424, %get3A_425, %get3A_426] {strides = array<i32>} : memref<5x128x128xf32, #tpu.memory_space<vmem>>, vector<1x1x16xf32>,
        %get3A_428 = vector.shape_cast %get3A_427 : vector<1x1x16xf32> to vector<16xf32>
        %mul3A_429 = arith.constant 11.3137083 : f32
        %mul3A_430 = vector.broadcast %mul3A_429 : f32 to vector<16xf32>
        %mul3A_431 = arith.mulf %get3A_428, %mul3A_430 : vector<16xf32>
        %swap3A_432 = arith.constant 1 : i32
        %swap3A_433 = arith.index_cast %swap3A_432 : i32 to index
        %swap3A_434 = arith.index_cast %scan3A_343 : i32 to index
        %swap3A_435 = arith.constant 80 : index
        %swap3A_436 = tpu.vector_load %arg6[%swap3A_433, %swap3A_434, %swap3A_435] {strides = array<i32>} : memref<5x128x128xf32, #tpu.memory_space<vmem>>, vector<1x1x16xf32>,
        %swap3A_437 = vector.shape_cast %swap3A_436 : vector<1x1x16xf32> to vector<16xf32>
        %swap3A_438 = vector.shape_cast %mul3A_431 : vector<16xf32> to vector<1x1x16xf32>
        tpu.vector_store %arg6[%swap3A_433, %swap3A_434, %swap3A_435], %swap3A_438 {strides = array<i32>} : memref<5x128x128xf32, #tpu.memory_space<vmem>>, vector<1x1x16xf32>,
        %get3A_439 = arith.constant 1 : i32
        %get3A_440 = arith.index_cast %get3A_439 : i32 to index
        %get3A_441 = arith.index_cast %scan3A_343 : i32 to index
        %get3A_442 = arith.constant 96 : index
        %get3A_443 = tpu.vector_load %arg6[%get3A_440, %get3A_441, %get3A_442] {strides = array<i32>} : memref<5x128x128xf32, #tpu.memory_space<vmem>>, vector<1x1x16xf32>,
        %get3A_444 = vector.shape_cast %get3A_443 : vector<1x1x16xf32> to vector<16xf32>
        %mul3A_445 = arith.constant 11.3137083 : f32
        %mul3A_446 = vector.broadcast %mul3A_445 : f32 to vector<16xf32>
        %mul3A_447 = arith.mulf %get3A_444, %mul3A_446 : vector<16xf32>
        %swap3A_448 = arith.constant 1 : i32
        %swap3A_449 = arith.index_cast %swap3A_448 : i32 to index
        %swap3A_450 = arith.index_cast %scan3A_343 : i32 to index
        %swap3A_451 = arith.constant 96 : index
        %swap3A_452 = tpu.vector_load %arg6[%swap3A_449, %swap3A_450, %swap3A_451] {strides = array<i32>} : memref<5x128x128xf32, #tpu.memory_space<vmem>>, vector<1x1x16xf32>,
        %swap3A_453 = vector.shape_cast %swap3A_452 : vector<1x1x16xf32> to vector<16xf32>
        %swap3A_454 = vector.shape_cast %mul3A_447 : vector<16xf32> to vector<1x1x16xf32>
        tpu.vector_store %arg6[%swap3A_449, %swap3A_450, %swap3A_451], %swap3A_454 {strides = array<i32>} : memref<5x128x128xf32, #tpu.memory_space<vmem>>, vector<1x1x16xf32>,
        %get3A_455 = arith.constant 1 : i32
        %get3A_456 = arith.index_cast %get3A_455 : i32 to index
        %get3A_457 = arith.index_cast %scan3A_343 : i32 to index
        %get3A_458 = arith.constant 112 : index
        %get3A_459 = tpu.vector_load %arg6[%get3A_456, %get3A_457, %get3A_458] {strides = array<i32>} : memref<5x128x128xf32, #tpu.memory_space<vmem>>, vector<1x1x16xf32>,
        %get3A_460 = vector.shape_cast %get3A_459 : vector<1x1x16xf32> to vector<16xf32>
        %mul3A_461 = arith.constant 11.3137083 : f32
        %mul3A_462 = vector.broadcast %mul3A_461 : f32 to vector<16xf32>
        %mul3A_463 = arith.mulf %get3A_460, %mul3A_462 : vector<16xf32>
        %swap3A_464 = arith.constant 1 : i32
        %swap3A_465 = arith.index_cast %swap3A_464 : i32 to index
        %swap3A_466 = arith.index_cast %scan3A_343 : i32 to index
        %swap3A_467 = arith.constant 112 : index
        %swap3A_468 = tpu.vector_load %arg6[%swap3A_465, %swap3A_466, %swap3A_467] {strides = array<i32>} : memref<5x128x128xf32, #tpu.memory_space<vmem>>, vector<1x1x16xf32>,
        %swap3A_469 = vector.shape_cast %swap3A_468 : vector<1x1x16xf32> to vector<16xf32>
        %swap3A_470 = vector.shape_cast %mul3A_463 : vector<16xf32> to vector<1x1x16xf32>
        tpu.vector_store %arg6[%swap3A_465, %swap3A_466, %swap3A_467], %swap3A_470 {strides = array<i32>} : memref<5x128x128xf32, #tpu.memory_space<vmem>>, vector<1x1x16xf32>,
        %scan3A_471 = arith.constant 0 : i32
        %scan3A_472 = arith.constant 1 : i32
        %scan3A_473 = arith.addi %scan3A_343, %scan3A_472 : i32
        %get3A_474 = arith.constant 1 : i32
        %get3A_475 = arith.index_cast %get3A_474 : i32 to index
        %get3A_476 = arith.index_cast %scan3A_473 : i32 to index
        %get3A_477 = arith.constant 0 : index
        %get3A_478 = tpu.vector_load %arg6[%get3A_475, %get3A_476, %get3A_477] {strides = array<i32>} : memref<5x128x128xf32, #tpu.memory_space<vmem>>, vector<1x1x16xf32>,
        %get3A_479 = vector.shape_cast %get3A_478 : vector<1x1x16xf32> to vector<16xf32>
        %mul3A_480 = arith.constant 11.3137083 : f32
        %mul3A_481 = vector.broadcast %mul3A_480 : f32 to vector<16xf32>
        %mul3A_482 = arith.mulf %get3A_479, %mul3A_481 : vector<16xf32>
        %swap3A_483 = arith.constant 1 : i32
        %swap3A_484 = arith.index_cast %swap3A_483 : i32 to index
        %swap3A_485 = arith.index_cast %scan3A_473 : i32 to index
        %swap3A_486 = arith.constant 0 : index
        %swap3A_487 = tpu.vector_load %arg6[%swap3A_484, %swap3A_485, %swap3A_486] {strides = array<i32>} : memref<5x128x128xf32, #tpu.memory_space<vmem>>, vector<1x1x16xf32>,
        %swap3A_488 = vector.shape_cast %swap3A_487 : vector<1x1x16xf32> to vector<16xf32>
        %swap3A_489 = vector.shape_cast %mul3A_482 : vector<16xf32> to vector<1x1x16xf32>
        tpu.vector_store %arg6[%swap3A_484, %swap3A_485, %swap3A_486], %swap3A_489 {strides = array<i32>} : memref<5x128x128xf32, #tpu.memory_space<vmem>>, vector<1x1x16xf32>,
        %get3A_490 = arith.constant 1 : i32
        %get3A_491 = arith.index_cast %get3A_490 : i32 to index
        %get3A_492 = arith.index_cast %scan3A_473 : i32 to index
        %get3A_493 = arith.constant 16 : index
        %get3A_494 = tpu.vector_load %arg6[%get3A_491, %get3A_492, %get3A_493] {strides = array<i32>} : memref<5x128x128xf32, #tpu.memory_space<vmem>>, vector<1x1x16xf32>,
        %get3A_495 = vector.shape_cast %get3A_494 : vector<1x1x16xf32> to vector<16xf32>
        %mul3A_496 = arith.constant 11.3137083 : f32
        %mul3A_497 = vector.broadcast %mul3A_496 : f32 to vector<16xf32>
        %mul3A_498 = arith.mulf %get3A_495, %mul3A_497 : vector<16xf32>
        %swap3A_499 = arith.constant 1 : i32
        %swap3A_500 = arith.index_cast %swap3A_499 : i32 to index
        %swap3A_501 = arith.index_cast %scan3A_473 : i32 to index
        %swap3A_502 = arith.constant 16 : index
        %swap3A_503 = tpu.vector_load %arg6[%swap3A_500, %swap3A_501, %swap3A_502] {strides = array<i32>} : memref<5x128x128xf32, #tpu.memory_space<vmem>>, vector<1x1x16xf32>,
        %swap3A_504 = vector.shape_cast %swap3A_503 : vector<1x1x16xf32> to vector<16xf32>
        %swap3A_505 = vector.shape_cast %mul3A_498 : vector<16xf32> to vector<1x1x16xf32>
        tpu.vector_store %arg6[%swap3A_500, %swap3A_501, %swap3A_502], %swap3A_505 {strides = array<i32>} : memref<5x128x128xf32, #tpu.memory_space<vmem>>, vector<1x1x16xf32>,
        %get3A_506 = arith.constant 1 : i32
        %get3A_507 = arith.index_cast %get3A_506 : i32 to index
        %get3A_508 = arith.index_cast %scan3A_473 : i32 to index
        %get3A_509 = arith.constant 32 : index
        %get3A_510 = tpu.vector_load %arg6[%get3A_507, %get3A_508, %get3A_509] {strides = array<i32>} : memref<5x128x128xf32, #tpu.memory_space<vmem>>, vector<1x1x16xf32>,
        %get3A_511 = vector.shape_cast %get3A_510 : vector<1x1x16xf32> to vector<16xf32>
        %mul3A_512 = arith.constant 11.3137083 : f32
        %mul3A_513 = vector.broadcast %mul3A_512 : f32 to vector<16xf32>
        %mul3A_514 = arith.mulf %get3A_511, %mul3A_513 : vector<16xf32>
        %swap3A_515 = arith.constant 1 : i32
        %swap3A_516 = arith.index_cast %swap3A_515 : i32 to index
        %swap3A_517 = arith.index_cast %scan3A_473 : i32 to index
        %swap3A_518 = arith.constant 32 : index
        %swap3A_519 = tpu.vector_load %arg6[%swap3A_516, %swap3A_517, %swap3A_518] {strides = array<i32>} : memref<5x128x128xf32, #tpu.memory_space<vmem>>, vector<1x1x16xf32>,
        %swap3A_520 = vector.shape_cast %swap3A_519 : vector<1x1x16xf32> to vector<16xf32>
        %swap3A_521 = vector.shape_cast %mul3A_514 : vector<16xf32> to vector<1x1x16xf32>
        tpu.vector_store %arg6[%swap3A_516, %swap3A_517, %swap3A_518], %swap3A_521 {strides = array<i32>} : memref<5x128x128xf32, #tpu.memory_space<vmem>>, vector<1x1x16xf32>,
        %get3A_522 = arith.constant 1 : i32
        %get3A_523 = arith.index_cast %get3A_522 : i32 to index
        %get3A_524 = arith.index_cast %scan3A_473 : i32 to index
        %get3A_525 = arith.constant 48 : index
        %get3A_526 = tpu.vector_load %arg6[%get3A_523, %get3A_524, %get3A_525] {strides = array<i32>} : memref<5x128x128xf32, #tpu.memory_space<vmem>>, vector<1x1x16xf32>,
        %get3A_527 = vector.shape_cast %get3A_526 : vector<1x1x16xf32> to vector<16xf32>
        %mul3A_528 = arith.constant 11.3137083 : f32
        %mul3A_529 = vector.broadcast %mul3A_528 : f32 to vector<16xf32>
        %mul3A_530 = arith.mulf %get3A_527, %mul3A_529 : vector<16xf32>
        %swap3A_531 = arith.constant 1 : i32
        %swap3A_532 = arith.index_cast %swap3A_531 : i32 to index
        %swap3A_533 = arith.index_cast %scan3A_473 : i32 to index
        %swap3A_534 = arith.constant 48 : index
        %swap3A_535 = tpu.vector_load %arg6[%swap3A_532, %swap3A_533, %swap3A_534] {strides = array<i32>} : memref<5x128x128xf32, #tpu.memory_space<vmem>>, vector<1x1x16xf32>,
        %swap3A_536 = vector.shape_cast %swap3A_535 : vector<1x1x16xf32> to vector<16xf32>
        %swap3A_537 = vector.shape_cast %mul3A_530 : vector<16xf32> to vector<1x1x16xf32>
        tpu.vector_store %arg6[%swap3A_532, %swap3A_533, %swap3A_534], %swap3A_537 {strides = array<i32>} : memref<5x128x128xf32, #tpu.memory_space<vmem>>, vector<1x1x16xf32>,
        %get3A_538 = arith.constant 1 : i32
        %get3A_539 = arith.index_cast %get3A_538 : i32 to index
        %get3A_540 = arith.index_cast %scan3A_473 : i32 to index
        %get3A_541 = arith.constant 64 : index
        %get3A_542 = tpu.vector_load %arg6[%get3A_539, %get3A_540, %get3A_541] {strides = array<i32>} : memref<5x128x128xf32, #tpu.memory_space<vmem>>, vector<1x1x16xf32>,
        %get3A_543 = vector.shape_cast %get3A_542 : vector<1x1x16xf32> to vector<16xf32>
        %mul3A_544 = arith.constant 11.3137083 : f32
        %mul3A_545 = vector.broadcast %mul3A_544 : f32 to vector<16xf32>
        %mul3A_546 = arith.mulf %get3A_543, %mul3A_545 : vector<16xf32>
        %swap3A_547 = arith.constant 1 : i32
        %swap3A_548 = arith.index_cast %swap3A_547 : i32 to index
        %swap3A_549 = arith.index_cast %scan3A_473 : i32 to index
        %swap3A_550 = arith.constant 64 : index
        %swap3A_551 = tpu.vector_load %arg6[%swap3A_548, %swap3A_549, %swap3A_550] {strides = array<i32>} : memref<5x128x128xf32, #tpu.memory_space<vmem>>, vector<1x1x16xf32>,
        %swap3A_552 = vector.shape_cast %swap3A_551 : vector<1x1x16xf32> to vector<16xf32>
        %swap3A_553 = vector.shape_cast %mul3A_546 : vector<16xf32> to vector<1x1x16xf32>
        tpu.vector_store %arg6[%swap3A_548, %swap3A_549, %swap3A_550], %swap3A_553 {strides = array<i32>} : memref<5x128x128xf32, #tpu.memory_space<vmem>>, vector<1x1x16xf32>,
        %get3A_554 = arith.constant 1 : i32
        %get3A_555 = arith.index_cast %get3A_554 : i32 to index
        %get3A_556 = arith.index_cast %scan3A_473 : i32 to index
        %get3A_557 = arith.constant 80 : index
        %get3A_558 = tpu.vector_load %arg6[%get3A_555, %get3A_556, %get3A_557] {strides = array<i32>} : memref<5x128x128xf32, #tpu.memory_space<vmem>>, vector<1x1x16xf32>,
        %get3A_559 = vector.shape_cast %get3A_558 : vector<1x1x16xf32> to vector<16xf32>
        %mul3A_560 = arith.constant 11.3137083 : f32
        %mul3A_561 = vector.broadcast %mul3A_560 : f32 to vector<16xf32>
        %mul3A_562 = arith.mulf %get3A_559, %mul3A_561 : vector<16xf32>
        %swap3A_563 = arith.constant 1 : i32
        %swap3A_564 = arith.index_cast %swap3A_563 : i32 to index
        %swap3A_565 = arith.index_cast %scan3A_473 : i32 to index
        %swap3A_566 = arith.constant 80 : index
        %swap3A_567 = tpu.vector_load %arg6[%swap3A_564, %swap3A_565, %swap3A_566] {strides = array<i32>} : memref<5x128x128xf32, #tpu.memory_space<vmem>>, vector<1x1x16xf32>,
        %swap3A_568 = vector.shape_cast %swap3A_567 : vector<1x1x16xf32> to vector<16xf32>
        %swap3A_569 = vector.shape_cast %mul3A_562 : vector<16xf32> to vector<1x1x16xf32>
        tpu.vector_store %arg6[%swap3A_564, %swap3A_565, %swap3A_566], %swap3A_569 {strides = array<i32>} : memref<5x128x128xf32, #tpu.memory_space<vmem>>, vector<1x1x16xf32>,
        %get3A_570 = arith.constant 1 : i32
        %get3A_571 = arith.index_cast %get3A_570 : i32 to index
        %get3A_572 = arith.index_cast %scan3A_473 : i32 to index
        %get3A_573 = arith.constant 96 : index
        %get3A_574 = tpu.vector_load %arg6[%get3A_571, %get3A_572, %get3A_573] {strides = array<i32>} : memref<5x128x128xf32, #tpu.memory_space<vmem>>, vector<1x1x16xf32>,
        %get3A_575 = vector.shape_cast %get3A_574 : vector<1x1x16xf32> to vector<16xf32>
        %mul3A_576 = arith.constant 11.3137083 : f32
        %mul3A_577 = vector.broadcast %mul3A_576 : f32 to vector<16xf32>
        %mul3A_578 = arith.mulf %get3A_575, %mul3A_577 : vector<16xf32>
        %swap3A_579 = arith.constant 1 : i32
        %swap3A_580 = arith.index_cast %swap3A_579 : i32 to index
        %swap3A_581 = arith.index_cast %scan3A_473 : i32 to index
        %swap3A_582 = arith.constant 96 : index
        %swap3A_583 = tpu.vector_load %arg6[%swap3A_580, %swap3A_581, %swap3A_582] {strides = array<i32>} : memref<5x128x128xf32, #tpu.memory_space<vmem>>, vector<1x1x16xf32>,
        %swap3A_584 = vector.shape_cast %swap3A_583 : vector<1x1x16xf32> to vector<16xf32>
        %swap3A_585 = vector.shape_cast %mul3A_578 : vector<16xf32> to vector<1x1x16xf32>
        tpu.vector_store %arg6[%swap3A_580, %swap3A_581, %swap3A_582], %swap3A_585 {strides = array<i32>} : memref<5x128x128xf32, #tpu.memory_space<vmem>>, vector<1x1x16xf32>,
        %get3A_586 = arith.constant 1 : i32
        %get3A_587 = arith.index_cast %get3A_586 : i32 to index
        %get3A_588 = arith.index_cast %scan3A_473 : i32 to index
        %get3A_589 = arith.constant 112 : index
        %get3A_590 = tpu.vector_load %arg6[%get3A_587, %get3A_588, %get3A_589] {strides = array<i32>} : memref<5x128x128xf32, #tpu.memory_space<vmem>>, vector<1x1x16xf32>,
        %get3A_591 = vector.shape_cast %get3A_590 : vector<1x1x16xf32> to vector<16xf32>
        %mul3A_592 = arith.constant 11.3137083 : f32
        %mul3A_593 = vector.broadcast %mul3A_592 : f32 to vector<16xf32>
        %mul3A_594 = arith.mulf %get3A_591, %mul3A_593 : vector<16xf32>
        %swap3A_595 = arith.constant 1 : i32
        %swap3A_596 = arith.index_cast %swap3A_595 : i32 to index
        %swap3A_597 = arith.index_cast %scan3A_473 : i32 to index
        %swap3A_598 = arith.constant 112 : index
        %swap3A_599 = tpu.vector_load %arg6[%swap3A_596, %swap3A_597, %swap3A_598] {strides = array<i32>} : memref<5x128x128xf32, #tpu.memory_space<vmem>>, vector<1x1x16xf32>,
        %swap3A_600 = vector.shape_cast %swap3A_599 : vector<1x1x16xf32> to vector<16xf32>
        %swap3A_601 = vector.shape_cast %mul3A_594 : vector<16xf32> to vector<1x1x16xf32>
        tpu.vector_store %arg6[%swap3A_596, %swap3A_597, %swap3A_598], %swap3A_601 {strides = array<i32>} : memref<5x128x128xf32, #tpu.memory_space<vmem>>, vector<1x1x16xf32>,
        %scan3A_602 = arith.constant 0 : i32
        scf.yield %scan3A_602 : i32
      }
      %scan3A_194 = arith.constant 128 : i32
      %add3A_195 = arith.addi %mul3A_2, %add3A_169 : i32
      %mul3A_196 = arith.constant 128 : i32
      %mul3A_197 = arith.muli %add3A_195, %mul3A_196 : i32
      %dma_start3A_198 = arith.constant 0 : i32
      %dma_start3A_199 = arith.constant 0 : i32
      %dma_start3A_200 = tpu.memref_slice %arg6[%scan3A_40, %dma_start3A_198, %dma_start3A_199] : memref<5x128x128xf32, #tpu.memory_space<vmem>> -> memref<1x128x128xf32, #tpu.memory_space<vmem>>
      %dma_start3A_201 = tpu.memref_squeeze %dma_start3A_200 : memref<1x128x128xf32, #tpu.memory_space<vmem>> -> memref<128x128xf32, #tpu.memory_space<vmem>>
      %dma_start3A_202 = arith.constant 0 : i32
      %dma_start3A_203 = tpu.memref_slice %arg4[%mul3A_197, %dma_start3A_202] : memref<819200x128xf32, #tpu.memory_space<hbm>> -> memref<128x128xf32, #tpu.memory_space<hbm>>
      %dma_start3A_204 = arith.constant 0 : i32
      %dma_start3A_205 = tpu.memref_slice %arg4[%mul3A_197, %dma_start3A_204] : memref<819200x128xf32, #tpu.memory_space<hbm>> -> memref<128x128xf32, #tpu.memory_space<hbm>>
      %dma_start3A_206 = arith.constant 0 : i32
      %dma_start3A_207 = arith.constant 0 : i32
      %dma_start3A_208 = tpu.memref_slice %arg6[%scan3A_40, %dma_start3A_206, %dma_start3A_207] : memref<5x128x128xf32, #tpu.memory_space<vmem>> -> memref<1x128x128xf32, #tpu.memory_space<vmem>>
      %dma_start3A_209 = tpu.memref_squeeze %dma_start3A_208 : memref<1x128x128xf32, #tpu.memory_space<vmem>> -> memref<128x128xf32, #tpu.memory_space<vmem>>
      tpu.enqueue_dma source(%dma_start3A_209 : memref<128x128xf32, #tpu.memory_space<vmem>>) target(%dma_start3A_205 : memref<128x128xf32, #tpu.memory_space<hbm>>) target_semaphore(%arg13 : memref<!tpu.dma_semaphore, #tpu.memory_space<semaphore_mem>>)
      %mul3A_210 = arith.constant 5 : i32
      %mul3A_211 = arith.muli %mul3A_210, %scan3A_123 : i32
      %add3A_212 = arith.constant 2 : i32
      %add3A_213 = arith.addi %mul3A_211, %add3A_212 : i32
      %add3A_214 = arith.constant 3 : i32
      %add3A_215 = arith.addi %add3A_213, %add3A_214 : i32
      %lt3A_216 = arith.constant 200 : i32
      %lt3A_217 = arith.cmpi slt, %add3A_215, %lt3A_216 : i32
      %convert_element_type3A_218 = arith.extui %lt3A_217 : i1 to i32
      %cond3A_219 = arith.constant 0 : i32
      %cond3A_220 = arith.cmpi ne, %convert_element_type3A_218, %cond3A_219 : i32
      scf.if %cond3A_220 {
        %ge3A = arith.constant 5 : i32
        %ge3A_343 = arith.cmpi sge, %add3A_215, %ge3A : i32
        %convert_element_type3A_344 = arith.extui %ge3A_343 : i1 to i32
        %cond3A_345 = arith.constant 0 : i32
        %cond3A_346 = arith.cmpi ne, %convert_element_type3A_344, %cond3A_345 : i32
        scf.if %cond3A_346 {
          %dma_wait3A_357 = arith.constant 0 : i32
          %dma_wait3A_358 = arith.constant 0 : i32
          %dma_wait3A_359 = tpu.memref_slice %arg6[%scan3A_38, %dma_wait3A_357, %dma_wait3A_358] : memref<5x128x128xf32, #tpu.memory_space<vmem>> -> memref<1x128x128xf32, #tpu.memory_space<vmem>>
          %dma_wait3A_360 = tpu.memref_squeeze %dma_wait3A_359 : memref<1x128x128xf32, #tpu.memory_space<vmem>> -> memref<128x128xf32, #tpu.memory_space<vmem>>
          %dma_wait3A_361 = arith.constant 0 : i32
          %dma_wait3A_362 = arith.constant 0 : i32
          %dma_wait3A_363 = tpu.memref_slice %arg4[%dma_wait3A_361, %dma_wait3A_362] : memref<819200x128xf32, #tpu.memory_space<hbm>> -> memref<128x128xf32, #tpu.memory_space<hbm>>
          %dma_wait3A_364 = arith.constant 0 : i32
          %dma_wait3A_365 = arith.constant 0 : i32
          %dma_wait3A_366 = tpu.memref_slice %arg4[%dma_wait3A_364, %dma_wait3A_365] : memref<819200x128xf32, #tpu.memory_space<hbm>> -> memref<128x128xf32, #tpu.memory_space<hbm>>
          %dma_wait3A_367 = arith.constant 0 : i32
          %dma_wait3A_368 = arith.constant 0 : i32
          %dma_wait3A_369 = tpu.memref_slice %arg6[%scan3A_38, %dma_wait3A_367, %dma_wait3A_368] : memref<5x128x128xf32, #tpu.memory_space<vmem>> -> memref<1x128x128xf32, #tpu.memory_space<vmem>>
          %dma_wait3A_370 = tpu.memref_squeeze %dma_wait3A_369 : memref<1x128x128xf32, #tpu.memory_space<vmem>> -> memref<128x128xf32, #tpu.memory_space<vmem>>
          tpu.wait_dma2 semaphore(%arg12 : memref<!tpu.dma_semaphore, #tpu.memory_space<semaphore_mem>>) src(%dma_wait3A_370 : memref<128x128xf32, #tpu.memory_space<vmem>>) dst(%dma_wait3A_366 : memref<128x128xf32, #tpu.memory_space<hbm>>)
        } else {
        }
        %dma_start3A_347 = arith.constant 0 : i32
        %dma_start3A_348 = arith.constant 0 : i32
        %dma_start3A_349 = tpu.memref_slice %arg6[%scan3A_38, %dma_start3A_347, %dma_start3A_348] : memref<5x128x128xf32, #tpu.memory_space<vmem>> -> memref<1x128x128xf32, #tpu.memory_space<vmem>>
        %dma_start3A_350 = tpu.memref_squeeze %dma_start3A_349 : memref<1x128x128xf32, #tpu.memory_space<vmem>> -> memref<128x128xf32, #tpu.memory_space<vmem>>
        %dma_start3A_351 = arith.constant 0 : i32
        %dma_start3A_352 = tpu.memref_slice %arg5[%add3A_215, %dma_start3A_351] : memref<200x128xi32, #tpu.memory_space<vmem>> -> memref<1x128xi32, #tpu.memory_space<vmem>>
        %dma_start3A_353 = tpu.memref_squeeze %dma_start3A_352 : memref<1x128xi32, #tpu.memory_space<vmem>> -> memref<128xi32, #tpu.memory_space<vmem>>
        %dma_start3A_354 = arith.constant 0 : i32
        %dma_start3A_355 = arith.constant 0 : i32
        %dma_start3A_356 = tpu.memref_slice %arg2[%dma_start3A_354, %dma_start3A_355] : memref<100000x128xf32, #tpu.memory_space<hbm>> -> memref<100000x128xf32, #tpu.memory_space<hbm>>
        tpu.enqueue_indirect_dma source(%dma_start3A_356 : memref<100000x128xf32, #tpu.memory_space<hbm>>) target(%dma_start3A_350 : memref<128x128xf32, #tpu.memory_space<vmem>>) offsets(%dma_start3A_353 : memref<128xi32, #tpu.memory_space<vmem>>) semaphore(%arg7 : memref<!tpu.dma_semaphore, #tpu.memory_space<semaphore_mem>>)
      } else {
      }
      %dma_wait3A_221 = arith.constant 0 : i32
      %dma_wait3A_222 = arith.constant 0 : i32
      %dma_wait3A_223 = arith.constant 0 : i32
      %dma_wait3A_224 = tpu.memref_slice %arg6[%scan3A_41, %dma_wait3A_222, %dma_wait3A_223] : memref<5x128x128xf32, #tpu.memory_space<vmem>> -> memref<1x128x128xf32, #tpu.memory_space<vmem>>
      %dma_wait3A_225 = tpu.memref_squeeze %dma_wait3A_224 : memref<1x128x128xf32, #tpu.memory_space<vmem>> -> memref<128x128xf32, #tpu.memory_space<vmem>>
      %dma_wait3A_226 = arith.constant 0 : i32
      %dma_wait3A_227 = tpu.memref_slice %arg5[%dma_wait3A_221, %dma_wait3A_226] : memref<200x128xi32, #tpu.memory_space<vmem>> -> memref<1x128xi32, #tpu.memory_space<vmem>>
      %dma_wait3A_228 = tpu.memref_squeeze %dma_wait3A_227 : memref<1x128xi32, #tpu.memory_space<vmem>> -> memref<128xi32, #tpu.memory_space<vmem>>
      %dma_wait3A_229 = arith.constant 0 : i32
      %dma_wait3A_230 = arith.constant 0 : i32
      %dma_wait3A_231 = tpu.memref_slice %arg2[%dma_wait3A_229, %dma_wait3A_230] : memref<100000x128xf32, #tpu.memory_space<hbm>> -> memref<100000x128xf32, #tpu.memory_space<hbm>>
      tpu.wait_indirect_dma semaphore(%arg9 : memref<!tpu.dma_semaphore, #tpu.memory_space<semaphore_mem>>) src(%dma_wait3A_231 : memref<100000x128xf32, #tpu.memory_space<hbm>>) dst(%dma_wait3A_225 : memref<128x128xf32, #tpu.memory_space<vmem>>)
      %scan3A_232 = arith.constant 0 : i32
      %scan3A_233 = arith.constant 0 : i32
      %scan3A_234 = arith.constant 128 : i32
      %scan3A_235 = arith.addi %scan3A_233, %scan3A_234 : i32
      %scan3A_236 = arith.constant 2 : i32
      %scan3A_237 = scf.for %scan3A_343 = %scan3A_233 to %scan3A_235 step %scan3A_236 iter_args(%scan3A_344 = %scan3A_232) -> (i32)  : i32 {
        %get3A = arith.constant 2 : i32
        %get3A_345 = arith.index_cast %get3A : i32 to index
        %get3A_346 = arith.index_cast %scan3A_343 : i32 to index
        %get3A_347 = arith.constant 0 : index
        %get3A_348 = tpu.vector_load %arg6[%get3A_345, %get3A_346, %get3A_347] {strides = array<i32>} : memref<5x128x128xf32, #tpu.memory_space<vmem>>, vector<1x1x16xf32>,
        %get3A_349 = vector.shape_cast %get3A_348 : vector<1x1x16xf32> to vector<16xf32>
        %mul3A_350 = arith.constant 11.3137083 : f32
        %mul3A_351 = vector.broadcast %mul3A_350 : f32 to vector<16xf32>
        %mul3A_352 = arith.mulf %get3A_349, %mul3A_351 : vector<16xf32>
        %swap3A = arith.constant 2 : i32
        %swap3A_353 = arith.index_cast %swap3A : i32 to index
        %swap3A_354 = arith.index_cast %scan3A_343 : i32 to index
        %swap3A_355 = arith.constant 0 : index
        %swap3A_356 = tpu.vector_load %arg6[%swap3A_353, %swap3A_354, %swap3A_355] {strides = array<i32>} : memref<5x128x128xf32, #tpu.memory_space<vmem>>, vector<1x1x16xf32>,
        %swap3A_357 = vector.shape_cast %swap3A_356 : vector<1x1x16xf32> to vector<16xf32>
        %swap3A_358 = vector.shape_cast %mul3A_352 : vector<16xf32> to vector<1x1x16xf32>
        tpu.vector_store %arg6[%swap3A_353, %swap3A_354, %swap3A_355], %swap3A_358 {strides = array<i32>} : memref<5x128x128xf32, #tpu.memory_space<vmem>>, vector<1x1x16xf32>,
        %get3A_359 = arith.constant 2 : i32
        %get3A_360 = arith.index_cast %get3A_359 : i32 to index
        %get3A_361 = arith.index_cast %scan3A_343 : i32 to index
        %get3A_362 = arith.constant 16 : index
        %get3A_363 = tpu.vector_load %arg6[%get3A_360, %get3A_361, %get3A_362] {strides = array<i32>} : memref<5x128x128xf32, #tpu.memory_space<vmem>>, vector<1x1x16xf32>,
        %get3A_364 = vector.shape_cast %get3A_363 : vector<1x1x16xf32> to vector<16xf32>
        %mul3A_365 = arith.constant 11.3137083 : f32
        %mul3A_366 = vector.broadcast %mul3A_365 : f32 to vector<16xf32>
        %mul3A_367 = arith.mulf %get3A_364, %mul3A_366 : vector<16xf32>
        %swap3A_368 = arith.constant 2 : i32
        %swap3A_369 = arith.index_cast %swap3A_368 : i32 to index
        %swap3A_370 = arith.index_cast %scan3A_343 : i32 to index
        %swap3A_371 = arith.constant 16 : index
        %swap3A_372 = tpu.vector_load %arg6[%swap3A_369, %swap3A_370, %swap3A_371] {strides = array<i32>} : memref<5x128x128xf32, #tpu.memory_space<vmem>>, vector<1x1x16xf32>,
        %swap3A_373 = vector.shape_cast %swap3A_372 : vector<1x1x16xf32> to vector<16xf32>
        %swap3A_374 = vector.shape_cast %mul3A_367 : vector<16xf32> to vector<1x1x16xf32>
        tpu.vector_store %arg6[%swap3A_369, %swap3A_370, %swap3A_371], %swap3A_374 {strides = array<i32>} : memref<5x128x128xf32, #tpu.memory_space<vmem>>, vector<1x1x16xf32>,
        %get3A_375 = arith.constant 2 : i32
        %get3A_376 = arith.index_cast %get3A_375 : i32 to index
        %get3A_377 = arith.index_cast %scan3A_343 : i32 to index
        %get3A_378 = arith.constant 32 : index
        %get3A_379 = tpu.vector_load %arg6[%get3A_376, %get3A_377, %get3A_378] {strides = array<i32>} : memref<5x128x128xf32, #tpu.memory_space<vmem>>, vector<1x1x16xf32>,
        %get3A_380 = vector.shape_cast %get3A_379 : vector<1x1x16xf32> to vector<16xf32>
        %mul3A_381 = arith.constant 11.3137083 : f32
        %mul3A_382 = vector.broadcast %mul3A_381 : f32 to vector<16xf32>
        %mul3A_383 = arith.mulf %get3A_380, %mul3A_382 : vector<16xf32>
        %swap3A_384 = arith.constant 2 : i32
        %swap3A_385 = arith.index_cast %swap3A_384 : i32 to index
        %swap3A_386 = arith.index_cast %scan3A_343 : i32 to index
        %swap3A_387 = arith.constant 32 : index
        %swap3A_388 = tpu.vector_load %arg6[%swap3A_385, %swap3A_386, %swap3A_387] {strides = array<i32>} : memref<5x128x128xf32, #tpu.memory_space<vmem>>, vector<1x1x16xf32>,
        %swap3A_389 = vector.shape_cast %swap3A_388 : vector<1x1x16xf32> to vector<16xf32>
        %swap3A_390 = vector.shape_cast %mul3A_383 : vector<16xf32> to vector<1x1x16xf32>
        tpu.vector_store %arg6[%swap3A_385, %swap3A_386, %swap3A_387], %swap3A_390 {strides = array<i32>} : memref<5x128x128xf32, #tpu.memory_space<vmem>>, vector<1x1x16xf32>,
        %get3A_391 = arith.constant 2 : i32
        %get3A_392 = arith.index_cast %get3A_391 : i32 to index
        %get3A_393 = arith.index_cast %scan3A_343 : i32 to index
        %get3A_394 = arith.constant 48 : index
        %get3A_395 = tpu.vector_load %arg6[%get3A_392, %get3A_393, %get3A_394] {strides = array<i32>} : memref<5x128x128xf32, #tpu.memory_space<vmem>>, vector<1x1x16xf32>,
        %get3A_396 = vector.shape_cast %get3A_395 : vector<1x1x16xf32> to vector<16xf32>
        %mul3A_397 = arith.constant 11.3137083 : f32
        %mul3A_398 = vector.broadcast %mul3A_397 : f32 to vector<16xf32>
        %mul3A_399 = arith.mulf %get3A_396, %mul3A_398 : vector<16xf32>
        %swap3A_400 = arith.constant 2 : i32
        %swap3A_401 = arith.index_cast %swap3A_400 : i32 to index
        %swap3A_402 = arith.index_cast %scan3A_343 : i32 to index
        %swap3A_403 = arith.constant 48 : index
        %swap3A_404 = tpu.vector_load %arg6[%swap3A_401, %swap3A_402, %swap3A_403] {strides = array<i32>} : memref<5x128x128xf32, #tpu.memory_space<vmem>>, vector<1x1x16xf32>,
        %swap3A_405 = vector.shape_cast %swap3A_404 : vector<1x1x16xf32> to vector<16xf32>
        %swap3A_406 = vector.shape_cast %mul3A_399 : vector<16xf32> to vector<1x1x16xf32>
        tpu.vector_store %arg6[%swap3A_401, %swap3A_402, %swap3A_403], %swap3A_406 {strides = array<i32>} : memref<5x128x128xf32, #tpu.memory_space<vmem>>, vector<1x1x16xf32>,
        %get3A_407 = arith.constant 2 : i32
        %get3A_408 = arith.index_cast %get3A_407 : i32 to index
        %get3A_409 = arith.index_cast %scan3A_343 : i32 to index
        %get3A_410 = arith.constant 64 : index
        %get3A_411 = tpu.vector_load %arg6[%get3A_408, %get3A_409, %get3A_410] {strides = array<i32>} : memref<5x128x128xf32, #tpu.memory_space<vmem>>, vector<1x1x16xf32>,
        %get3A_412 = vector.shape_cast %get3A_411 : vector<1x1x16xf32> to vector<16xf32>
        %mul3A_413 = arith.constant 11.3137083 : f32
        %mul3A_414 = vector.broadcast %mul3A_413 : f32 to vector<16xf32>
        %mul3A_415 = arith.mulf %get3A_412, %mul3A_414 : vector<16xf32>
        %swap3A_416 = arith.constant 2 : i32
        %swap3A_417 = arith.index_cast %swap3A_416 : i32 to index
        %swap3A_418 = arith.index_cast %scan3A_343 : i32 to index
        %swap3A_419 = arith.constant 64 : index
        %swap3A_420 = tpu.vector_load %arg6[%swap3A_417, %swap3A_418, %swap3A_419] {strides = array<i32>} : memref<5x128x128xf32, #tpu.memory_space<vmem>>, vector<1x1x16xf32>,
        %swap3A_421 = vector.shape_cast %swap3A_420 : vector<1x1x16xf32> to vector<16xf32>
        %swap3A_422 = vector.shape_cast %mul3A_415 : vector<16xf32> to vector<1x1x16xf32>
        tpu.vector_store %arg6[%swap3A_417, %swap3A_418, %swap3A_419], %swap3A_422 {strides = array<i32>} : memref<5x128x128xf32, #tpu.memory_space<vmem>>, vector<1x1x16xf32>,
        %get3A_423 = arith.constant 2 : i32
        %get3A_424 = arith.index_cast %get3A_423 : i32 to index
        %get3A_425 = arith.index_cast %scan3A_343 : i32 to index
        %get3A_426 = arith.constant 80 : index
        %get3A_427 = tpu.vector_load %arg6[%get3A_424, %get3A_425, %get3A_426] {strides = array<i32>} : memref<5x128x128xf32, #tpu.memory_space<vmem>>, vector<1x1x16xf32>,
        %get3A_428 = vector.shape_cast %get3A_427 : vector<1x1x16xf32> to vector<16xf32>
        %mul3A_429 = arith.constant 11.3137083 : f32
        %mul3A_430 = vector.broadcast %mul3A_429 : f32 to vector<16xf32>
        %mul3A_431 = arith.mulf %get3A_428, %mul3A_430 : vector<16xf32>
        %swap3A_432 = arith.constant 2 : i32
        %swap3A_433 = arith.index_cast %swap3A_432 : i32 to index
        %swap3A_434 = arith.index_cast %scan3A_343 : i32 to index
        %swap3A_435 = arith.constant 80 : index
        %swap3A_436 = tpu.vector_load %arg6[%swap3A_433, %swap3A_434, %swap3A_435] {strides = array<i32>} : memref<5x128x128xf32, #tpu.memory_space<vmem>>, vector<1x1x16xf32>,
        %swap3A_437 = vector.shape_cast %swap3A_436 : vector<1x1x16xf32> to vector<16xf32>
        %swap3A_438 = vector.shape_cast %mul3A_431 : vector<16xf32> to vector<1x1x16xf32>
        tpu.vector_store %arg6[%swap3A_433, %swap3A_434, %swap3A_435], %swap3A_438 {strides = array<i32>} : memref<5x128x128xf32, #tpu.memory_space<vmem>>, vector<1x1x16xf32>,
        %get3A_439 = arith.constant 2 : i32
        %get3A_440 = arith.index_cast %get3A_439 : i32 to index
        %get3A_441 = arith.index_cast %scan3A_343 : i32 to index
        %get3A_442 = arith.constant 96 : index
        %get3A_443 = tpu.vector_load %arg6[%get3A_440, %get3A_441, %get3A_442] {strides = array<i32>} : memref<5x128x128xf32, #tpu.memory_space<vmem>>, vector<1x1x16xf32>,
        %get3A_444 = vector.shape_cast %get3A_443 : vector<1x1x16xf32> to vector<16xf32>
        %mul3A_445 = arith.constant 11.3137083 : f32
        %mul3A_446 = vector.broadcast %mul3A_445 : f32 to vector<16xf32>
        %mul3A_447 = arith.mulf %get3A_444, %mul3A_446 : vector<16xf32>
        %swap3A_448 = arith.constant 2 : i32
        %swap3A_449 = arith.index_cast %swap3A_448 : i32 to index
        %swap3A_450 = arith.index_cast %scan3A_343 : i32 to index
        %swap3A_451 = arith.constant 96 : index
        %swap3A_452 = tpu.vector_load %arg6[%swap3A_449, %swap3A_450, %swap3A_451] {strides = array<i32>} : memref<5x128x128xf32, #tpu.memory_space<vmem>>, vector<1x1x16xf32>,
        %swap3A_453 = vector.shape_cast %swap3A_452 : vector<1x1x16xf32> to vector<16xf32>
        %swap3A_454 = vector.shape_cast %mul3A_447 : vector<16xf32> to vector<1x1x16xf32>
        tpu.vector_store %arg6[%swap3A_449, %swap3A_450, %swap3A_451], %swap3A_454 {strides = array<i32>} : memref<5x128x128xf32, #tpu.memory_space<vmem>>, vector<1x1x16xf32>,
        %get3A_455 = arith.constant 2 : i32
        %get3A_456 = arith.index_cast %get3A_455 : i32 to index
        %get3A_457 = arith.index_cast %scan3A_343 : i32 to index
        %get3A_458 = arith.constant 112 : index
        %get3A_459 = tpu.vector_load %arg6[%get3A_456, %get3A_457, %get3A_458] {strides = array<i32>} : memref<5x128x128xf32, #tpu.memory_space<vmem>>, vector<1x1x16xf32>,
        %get3A_460 = vector.shape_cast %get3A_459 : vector<1x1x16xf32> to vector<16xf32>
        %mul3A_461 = arith.constant 11.3137083 : f32
        %mul3A_462 = vector.broadcast %mul3A_461 : f32 to vector<16xf32>
        %mul3A_463 = arith.mulf %get3A_460, %mul3A_462 : vector<16xf32>
        %swap3A_464 = arith.constant 2 : i32
        %swap3A_465 = arith.index_cast %swap3A_464 : i32 to index
        %swap3A_466 = arith.index_cast %scan3A_343 : i32 to index
        %swap3A_467 = arith.constant 112 : index
        %swap3A_468 = tpu.vector_load %arg6[%swap3A_465, %swap3A_466, %swap3A_467] {strides = array<i32>} : memref<5x128x128xf32, #tpu.memory_space<vmem>>, vector<1x1x16xf32>,
        %swap3A_469 = vector.shape_cast %swap3A_468 : vector<1x1x16xf32> to vector<16xf32>
        %swap3A_470 = vector.shape_cast %mul3A_463 : vector<16xf32> to vector<1x1x16xf32>
        tpu.vector_store %arg6[%swap3A_465, %swap3A_466, %swap3A_467], %swap3A_470 {strides = array<i32>} : memref<5x128x128xf32, #tpu.memory_space<vmem>>, vector<1x1x16xf32>,
        %scan3A_471 = arith.constant 0 : i32
        %scan3A_472 = arith.constant 1 : i32
        %scan3A_473 = arith.addi %scan3A_343, %scan3A_472 : i32
        %get3A_474 = arith.constant 2 : i32
        %get3A_475 = arith.index_cast %get3A_474 : i32 to index
        %get3A_476 = arith.index_cast %scan3A_473 : i32 to index
        %get3A_477 = arith.constant 0 : index
        %get3A_478 = tpu.vector_load %arg6[%get3A_475, %get3A_476, %get3A_477] {strides = array<i32>} : memref<5x128x128xf32, #tpu.memory_space<vmem>>, vector<1x1x16xf32>,
        %get3A_479 = vector.shape_cast %get3A_478 : vector<1x1x16xf32> to vector<16xf32>
        %mul3A_480 = arith.constant 11.3137083 : f32
        %mul3A_481 = vector.broadcast %mul3A_480 : f32 to vector<16xf32>
        %mul3A_482 = arith.mulf %get3A_479, %mul3A_481 : vector<16xf32>
        %swap3A_483 = arith.constant 2 : i32
        %swap3A_484 = arith.index_cast %swap3A_483 : i32 to index
        %swap3A_485 = arith.index_cast %scan3A_473 : i32 to index
        %swap3A_486 = arith.constant 0 : index
        %swap3A_487 = tpu.vector_load %arg6[%swap3A_484, %swap3A_485, %swap3A_486] {strides = array<i32>} : memref<5x128x128xf32, #tpu.memory_space<vmem>>, vector<1x1x16xf32>,
        %swap3A_488 = vector.shape_cast %swap3A_487 : vector<1x1x16xf32> to vector<16xf32>
        %swap3A_489 = vector.shape_cast %mul3A_482 : vector<16xf32> to vector<1x1x16xf32>
        tpu.vector_store %arg6[%swap3A_484, %swap3A_485, %swap3A_486], %swap3A_489 {strides = array<i32>} : memref<5x128x128xf32, #tpu.memory_space<vmem>>, vector<1x1x16xf32>,
        %get3A_490 = arith.constant 2 : i32
        %get3A_491 = arith.index_cast %get3A_490 : i32 to index
        %get3A_492 = arith.index_cast %scan3A_473 : i32 to index
        %get3A_493 = arith.constant 16 : index
        %get3A_494 = tpu.vector_load %arg6[%get3A_491, %get3A_492, %get3A_493] {strides = array<i32>} : memref<5x128x128xf32, #tpu.memory_space<vmem>>, vector<1x1x16xf32>,
        %get3A_495 = vector.shape_cast %get3A_494 : vector<1x1x16xf32> to vector<16xf32>
        %mul3A_496 = arith.constant 11.3137083 : f32
        %mul3A_497 = vector.broadcast %mul3A_496 : f32 to vector<16xf32>
        %mul3A_498 = arith.mulf %get3A_495, %mul3A_497 : vector<16xf32>
        %swap3A_499 = arith.constant 2 : i32
        %swap3A_500 = arith.index_cast %swap3A_499 : i32 to index
        %swap3A_501 = arith.index_cast %scan3A_473 : i32 to index
        %swap3A_502 = arith.constant 16 : index
        %swap3A_503 = tpu.vector_load %arg6[%swap3A_500, %swap3A_501, %swap3A_502] {strides = array<i32>} : memref<5x128x128xf32, #tpu.memory_space<vmem>>, vector<1x1x16xf32>,
        %swap3A_504 = vector.shape_cast %swap3A_503 : vector<1x1x16xf32> to vector<16xf32>
        %swap3A_505 = vector.shape_cast %mul3A_498 : vector<16xf32> to vector<1x1x16xf32>
        tpu.vector_store %arg6[%swap3A_500, %swap3A_501, %swap3A_502], %swap3A_505 {strides = array<i32>} : memref<5x128x128xf32, #tpu.memory_space<vmem>>, vector<1x1x16xf32>,
        %get3A_506 = arith.constant 2 : i32
        %get3A_507 = arith.index_cast %get3A_506 : i32 to index
        %get3A_508 = arith.index_cast %scan3A_473 : i32 to index
        %get3A_509 = arith.constant 32 : index
        %get3A_510 = tpu.vector_load %arg6[%get3A_507, %get3A_508, %get3A_509] {strides = array<i32>} : memref<5x128x128xf32, #tpu.memory_space<vmem>>, vector<1x1x16xf32>,
        %get3A_511 = vector.shape_cast %get3A_510 : vector<1x1x16xf32> to vector<16xf32>
        %mul3A_512 = arith.constant 11.3137083 : f32
        %mul3A_513 = vector.broadcast %mul3A_512 : f32 to vector<16xf32>
        %mul3A_514 = arith.mulf %get3A_511, %mul3A_513 : vector<16xf32>
        %swap3A_515 = arith.constant 2 : i32
        %swap3A_516 = arith.index_cast %swap3A_515 : i32 to index
        %swap3A_517 = arith.index_cast %scan3A_473 : i32 to index
        %swap3A_518 = arith.constant 32 : index
        %swap3A_519 = tpu.vector_load %arg6[%swap3A_516, %swap3A_517, %swap3A_518] {strides = array<i32>} : memref<5x128x128xf32, #tpu.memory_space<vmem>>, vector<1x1x16xf32>,
        %swap3A_520 = vector.shape_cast %swap3A_519 : vector<1x1x16xf32> to vector<16xf32>
        %swap3A_521 = vector.shape_cast %mul3A_514 : vector<16xf32> to vector<1x1x16xf32>
        tpu.vector_store %arg6[%swap3A_516, %swap3A_517, %swap3A_518], %swap3A_521 {strides = array<i32>} : memref<5x128x128xf32, #tpu.memory_space<vmem>>, vector<1x1x16xf32>,
        %get3A_522 = arith.constant 2 : i32
        %get3A_523 = arith.index_cast %get3A_522 : i32 to index
        %get3A_524 = arith.index_cast %scan3A_473 : i32 to index
        %get3A_525 = arith.constant 48 : index
        %get3A_526 = tpu.vector_load %arg6[%get3A_523, %get3A_524, %get3A_525] {strides = array<i32>} : memref<5x128x128xf32, #tpu.memory_space<vmem>>, vector<1x1x16xf32>,
        %get3A_527 = vector.shape_cast %get3A_526 : vector<1x1x16xf32> to vector<16xf32>
        %mul3A_528 = arith.constant 11.3137083 : f32
        %mul3A_529 = vector.broadcast %mul3A_528 : f32 to vector<16xf32>
        %mul3A_530 = arith.mulf %get3A_527, %mul3A_529 : vector<16xf32>
        %swap3A_531 = arith.constant 2 : i32
        %swap3A_532 = arith.index_cast %swap3A_531 : i32 to index
        %swap3A_533 = arith.index_cast %scan3A_473 : i32 to index
        %swap3A_534 = arith.constant 48 : index
        %swap3A_535 = tpu.vector_load %arg6[%swap3A_532, %swap3A_533, %swap3A_534] {strides = array<i32>} : memref<5x128x128xf32, #tpu.memory_space<vmem>>, vector<1x1x16xf32>,
        %swap3A_536 = vector.shape_cast %swap3A_535 : vector<1x1x16xf32> to vector<16xf32>
        %swap3A_537 = vector.shape_cast %mul3A_530 : vector<16xf32> to vector<1x1x16xf32>
        tpu.vector_store %arg6[%swap3A_532, %swap3A_533, %swap3A_534], %swap3A_537 {strides = array<i32>} : memref<5x128x128xf32, #tpu.memory_space<vmem>>, vector<1x1x16xf32>,
        %get3A_538 = arith.constant 2 : i32
        %get3A_539 = arith.index_cast %get3A_538 : i32 to index
        %get3A_540 = arith.index_cast %scan3A_473 : i32 to index
        %get3A_541 = arith.constant 64 : index
        %get3A_542 = tpu.vector_load %arg6[%get3A_539, %get3A_540, %get3A_541] {strides = array<i32>} : memref<5x128x128xf32, #tpu.memory_space<vmem>>, vector<1x1x16xf32>,
        %get3A_543 = vector.shape_cast %get3A_542 : vector<1x1x16xf32> to vector<16xf32>
        %mul3A_544 = arith.constant 11.3137083 : f32
        %mul3A_545 = vector.broadcast %mul3A_544 : f32 to vector<16xf32>
        %mul3A_546 = arith.mulf %get3A_543, %mul3A_545 : vector<16xf32>
        %swap3A_547 = arith.constant 2 : i32
        %swap3A_548 = arith.index_cast %swap3A_547 : i32 to index
        %swap3A_549 = arith.index_cast %scan3A_473 : i32 to index
        %swap3A_550 = arith.constant 64 : index
        %swap3A_551 = tpu.vector_load %arg6[%swap3A_548, %swap3A_549, %swap3A_550] {strides = array<i32>} : memref<5x128x128xf32, #tpu.memory_space<vmem>>, vector<1x1x16xf32>,
        %swap3A_552 = vector.shape_cast %swap3A_551 : vector<1x1x16xf32> to vector<16xf32>
        %swap3A_553 = vector.shape_cast %mul3A_546 : vector<16xf32> to vector<1x1x16xf32>
        tpu.vector_store %arg6[%swap3A_548, %swap3A_549, %swap3A_550], %swap3A_553 {strides = array<i32>} : memref<5x128x128xf32, #tpu.memory_space<vmem>>, vector<1x1x16xf32>,
        %get3A_554 = arith.constant 2 : i32
        %get3A_555 = arith.index_cast %get3A_554 : i32 to index
        %get3A_556 = arith.index_cast %scan3A_473 : i32 to index
        %get3A_557 = arith.constant 80 : index
        %get3A_558 = tpu.vector_load %arg6[%get3A_555, %get3A_556, %get3A_557] {strides = array<i32>} : memref<5x128x128xf32, #tpu.memory_space<vmem>>, vector<1x1x16xf32>,
        %get3A_559 = vector.shape_cast %get3A_558 : vector<1x1x16xf32> to vector<16xf32>
        %mul3A_560 = arith.constant 11.3137083 : f32
        %mul3A_561 = vector.broadcast %mul3A_560 : f32 to vector<16xf32>
        %mul3A_562 = arith.mulf %get3A_559, %mul3A_561 : vector<16xf32>
        %swap3A_563 = arith.constant 2 : i32
        %swap3A_564 = arith.index_cast %swap3A_563 : i32 to index
        %swap3A_565 = arith.index_cast %scan3A_473 : i32 to index
        %swap3A_566 = arith.constant 80 : index
        %swap3A_567 = tpu.vector_load %arg6[%swap3A_564, %swap3A_565, %swap3A_566] {strides = array<i32>} : memref<5x128x128xf32, #tpu.memory_space<vmem>>, vector<1x1x16xf32>,
        %swap3A_568 = vector.shape_cast %swap3A_567 : vector<1x1x16xf32> to vector<16xf32>
        %swap3A_569 = vector.shape_cast %mul3A_562 : vector<16xf32> to vector<1x1x16xf32>
        tpu.vector_store %arg6[%swap3A_564, %swap3A_565, %swap3A_566], %swap3A_569 {strides = array<i32>} : memref<5x128x128xf32, #tpu.memory_space<vmem>>, vector<1x1x16xf32>,
        %get3A_570 = arith.constant 2 : i32
        %get3A_571 = arith.index_cast %get3A_570 : i32 to index
        %get3A_572 = arith.index_cast %scan3A_473 : i32 to index
        %get3A_573 = arith.constant 96 : index
        %get3A_574 = tpu.vector_load %arg6[%get3A_571, %get3A_572, %get3A_573] {strides = array<i32>} : memref<5x128x128xf32, #tpu.memory_space<vmem>>, vector<1x1x16xf32>,
        %get3A_575 = vector.shape_cast %get3A_574 : vector<1x1x16xf32> to vector<16xf32>
        %mul3A_576 = arith.constant 11.3137083 : f32
        %mul3A_577 = vector.broadcast %mul3A_576 : f32 to vector<16xf32>
        %mul3A_578 = arith.mulf %get3A_575, %mul3A_577 : vector<16xf32>
        %swap3A_579 = arith.constant 2 : i32
        %swap3A_580 = arith.index_cast %swap3A_579 : i32 to index
        %swap3A_581 = arith.index_cast %scan3A_473 : i32 to index
        %swap3A_582 = arith.constant 96 : index
        %swap3A_583 = tpu.vector_load %arg6[%swap3A_580, %swap3A_581, %swap3A_582] {strides = array<i32>} : memref<5x128x128xf32, #tpu.memory_space<vmem>>, vector<1x1x16xf32>,
        %swap3A_584 = vector.shape_cast %swap3A_583 : vector<1x1x16xf32> to vector<16xf32>
        %swap3A_585 = vector.shape_cast %mul3A_578 : vector<16xf32> to vector<1x1x16xf32>
        tpu.vector_store %arg6[%swap3A_580, %swap3A_581, %swap3A_582], %swap3A_585 {strides = array<i32>} : memref<5x128x128xf32, #tpu.memory_space<vmem>>, vector<1x1x16xf32>,
        %get3A_586 = arith.constant 2 : i32
        %get3A_587 = arith.index_cast %get3A_586 : i32 to index
        %get3A_588 = arith.index_cast %scan3A_473 : i32 to index
        %get3A_589 = arith.constant 112 : index
        %get3A_590 = tpu.vector_load %arg6[%get3A_587, %get3A_588, %get3A_589] {strides = array<i32>} : memref<5x128x128xf32, #tpu.memory_space<vmem>>, vector<1x1x16xf32>,
        %get3A_591 = vector.shape_cast %get3A_590 : vector<1x1x16xf32> to vector<16xf32>
        %mul3A_592 = arith.constant 11.3137083 : f32
        %mul3A_593 = vector.broadcast %mul3A_592 : f32 to vector<16xf32>
        %mul3A_594 = arith.mulf %get3A_591, %mul3A_593 : vector<16xf32>
        %swap3A_595 = arith.constant 2 : i32
        %swap3A_596 = arith.index_cast %swap3A_595 : i32 to index
        %swap3A_597 = arith.index_cast %scan3A_473 : i32 to index
        %swap3A_598 = arith.constant 112 : index
        %swap3A_599 = tpu.vector_load %arg6[%swap3A_596, %swap3A_597, %swap3A_598] {strides = array<i32>} : memref<5x128x128xf32, #tpu.memory_space<vmem>>, vector<1x1x16xf32>,
        %swap3A_600 = vector.shape_cast %swap3A_599 : vector<1x1x16xf32> to vector<16xf32>
        %swap3A_601 = vector.shape_cast %mul3A_594 : vector<16xf32> to vector<1x1x16xf32>
        tpu.vector_store %arg6[%swap3A_596, %swap3A_597, %swap3A_598], %swap3A_601 {strides = array<i32>} : memref<5x128x128xf32, #tpu.memory_space<vmem>>, vector<1x1x16xf32>,
        %scan3A_602 = arith.constant 0 : i32
        scf.yield %scan3A_602 : i32
      }
      %scan3A_238 = arith.constant 128 : i32
      %add3A_239 = arith.addi %mul3A_2, %add3A_213 : i32
      %mul3A_240 = arith.constant 128 : i32
      %mul3A_241 = arith.muli %add3A_239, %mul3A_240 : i32
      %dma_start3A_242 = arith.constant 0 : i32
      %dma_start3A_243 = arith.constant 0 : i32
      %dma_start3A_244 = tpu.memref_slice %arg6[%scan3A_41, %dma_start3A_242, %dma_start3A_243] : memref<5x128x128xf32, #tpu.memory_space<vmem>> -> memref<1x128x128xf32, #tpu.memory_space<vmem>>
      %dma_start3A_245 = tpu.memref_squeeze %dma_start3A_244 : memref<1x128x128xf32, #tpu.memory_space<vmem>> -> memref<128x128xf32, #tpu.memory_space<vmem>>
      %dma_start3A_246 = arith.constant 0 : i32
      %dma_start3A_247 = tpu.memref_slice %arg4[%mul3A_241, %dma_start3A_246] : memref<819200x128xf32, #tpu.memory_space<hbm>> -> memref<128x128xf32, #tpu.memory_space<hbm>>
      %dma_start3A_248 = arith.constant 0 : i32
      %dma_start3A_249 = tpu.memref_slice %arg4[%mul3A_241, %dma_start3A_248] : memref<819200x128xf32, #tpu.memory_space<hbm>> -> memref<128x128xf32, #tpu.memory_space<hbm>>
      %dma_start3A_250 = arith.constant 0 : i32
      %dma_start3A_251 = arith.constant 0 : i32
      %dma_start3A_252 = tpu.memref_slice %arg6[%scan3A_41, %dma_start3A_250, %dma_start3A_251] : memref<5x128x128xf32, #tpu.memory_space<vmem>> -> memref<1x128x128xf32, #tpu.memory_space<vmem>>
      %dma_start3A_253 = tpu.memref_squeeze %dma_start3A_252 : memref<1x128x128xf32, #tpu.memory_space<vmem>> -> memref<128x128xf32, #tpu.memory_space<vmem>>
      tpu.enqueue_dma source(%dma_start3A_253 : memref<128x128xf32, #tpu.memory_space<vmem>>) target(%dma_start3A_249 : memref<128x128xf32, #tpu.memory_space<hbm>>) target_semaphore(%arg14 : memref<!tpu.dma_semaphore, #tpu.memory_space<semaphore_mem>>)
      %mul3A_254 = arith.constant 5 : i32
      %mul3A_255 = arith.muli %mul3A_254, %scan3A_123 : i32
      %add3A_256 = arith.constant 3 : i32
      %add3A_257 = arith.addi %mul3A_255, %add3A_256 : i32
      %add3A_258 = arith.constant 3 : i32
      %add3A_259 = arith.addi %add3A_257, %add3A_258 : i32
      %lt3A_260 = arith.constant 200 : i32
      %lt3A_261 = arith.cmpi slt, %add3A_259, %lt3A_260 : i32
      %convert_element_type3A_262 = arith.extui %lt3A_261 : i1 to i32
      %cond3A_263 = arith.constant 0 : i32
      %cond3A_264 = arith.cmpi ne, %convert_element_type3A_262, %cond3A_263 : i32
      scf.if %cond3A_264 {
        %ge3A = arith.constant 5 : i32
        %ge3A_343 = arith.cmpi sge, %add3A_259, %ge3A : i32
        %convert_element_type3A_344 = arith.extui %ge3A_343 : i1 to i32
        %cond3A_345 = arith.constant 0 : i32
        %cond3A_346 = arith.cmpi ne, %convert_element_type3A_344, %cond3A_345 : i32
        scf.if %cond3A_346 {
          %dma_wait3A_357 = arith.constant 0 : i32
          %dma_wait3A_358 = arith.constant 0 : i32
          %dma_wait3A_359 = tpu.memref_slice %arg6[%scan3A_40, %dma_wait3A_357, %dma_wait3A_358] : memref<5x128x128xf32, #tpu.memory_space<vmem>> -> memref<1x128x128xf32, #tpu.memory_space<vmem>>
          %dma_wait3A_360 = tpu.memref_squeeze %dma_wait3A_359 : memref<1x128x128xf32, #tpu.memory_space<vmem>> -> memref<128x128xf32, #tpu.memory_space<vmem>>
          %dma_wait3A_361 = arith.constant 0 : i32
          %dma_wait3A_362 = arith.constant 0 : i32
          %dma_wait3A_363 = tpu.memref_slice %arg4[%dma_wait3A_361, %dma_wait3A_362] : memref<819200x128xf32, #tpu.memory_space<hbm>> -> memref<128x128xf32, #tpu.memory_space<hbm>>
          %dma_wait3A_364 = arith.constant 0 : i32
          %dma_wait3A_365 = arith.constant 0 : i32
          %dma_wait3A_366 = tpu.memref_slice %arg4[%dma_wait3A_364, %dma_wait3A_365] : memref<819200x128xf32, #tpu.memory_space<hbm>> -> memref<128x128xf32, #tpu.memory_space<hbm>>
          %dma_wait3A_367 = arith.constant 0 : i32
          %dma_wait3A_368 = arith.constant 0 : i32
          %dma_wait3A_369 = tpu.memref_slice %arg6[%scan3A_40, %dma_wait3A_367, %dma_wait3A_368] : memref<5x128x128xf32, #tpu.memory_space<vmem>> -> memref<1x128x128xf32, #tpu.memory_space<vmem>>
          %dma_wait3A_370 = tpu.memref_squeeze %dma_wait3A_369 : memref<1x128x128xf32, #tpu.memory_space<vmem>> -> memref<128x128xf32, #tpu.memory_space<vmem>>
          tpu.wait_dma2 semaphore(%arg13 : memref<!tpu.dma_semaphore, #tpu.memory_space<semaphore_mem>>) src(%dma_wait3A_370 : memref<128x128xf32, #tpu.memory_space<vmem>>) dst(%dma_wait3A_366 : memref<128x128xf32, #tpu.memory_space<hbm>>)
        } else {
        }
        %dma_start3A_347 = arith.constant 0 : i32
        %dma_start3A_348 = arith.constant 0 : i32
        %dma_start3A_349 = tpu.memref_slice %arg6[%scan3A_40, %dma_start3A_347, %dma_start3A_348] : memref<5x128x128xf32, #tpu.memory_space<vmem>> -> memref<1x128x128xf32, #tpu.memory_space<vmem>>
        %dma_start3A_350 = tpu.memref_squeeze %dma_start3A_349 : memref<1x128x128xf32, #tpu.memory_space<vmem>> -> memref<128x128xf32, #tpu.memory_space<vmem>>
        %dma_start3A_351 = arith.constant 0 : i32
        %dma_start3A_352 = tpu.memref_slice %arg5[%add3A_259, %dma_start3A_351] : memref<200x128xi32, #tpu.memory_space<vmem>> -> memref<1x128xi32, #tpu.memory_space<vmem>>
        %dma_start3A_353 = tpu.memref_squeeze %dma_start3A_352 : memref<1x128xi32, #tpu.memory_space<vmem>> -> memref<128xi32, #tpu.memory_space<vmem>>
        %dma_start3A_354 = arith.constant 0 : i32
        %dma_start3A_355 = arith.constant 0 : i32
        %dma_start3A_356 = tpu.memref_slice %arg2[%dma_start3A_354, %dma_start3A_355] : memref<100000x128xf32, #tpu.memory_space<hbm>> -> memref<100000x128xf32, #tpu.memory_space<hbm>>
        tpu.enqueue_indirect_dma source(%dma_start3A_356 : memref<100000x128xf32, #tpu.memory_space<hbm>>) target(%dma_start3A_350 : memref<128x128xf32, #tpu.memory_space<vmem>>) offsets(%dma_start3A_353 : memref<128xi32, #tpu.memory_space<vmem>>) semaphore(%arg8 : memref<!tpu.dma_semaphore, #tpu.memory_space<semaphore_mem>>)
      } else {
      }
      %dma_wait3A_265 = arith.constant 0 : i32
      %dma_wait3A_266 = arith.constant 0 : i32
      %dma_wait3A_267 = arith.constant 0 : i32
      %dma_wait3A_268 = tpu.memref_slice %arg6[%scan3A, %dma_wait3A_266, %dma_wait3A_267] : memref<5x128x128xf32, #tpu.memory_space<vmem>> -> memref<1x128x128xf32, #tpu.memory_space<vmem>>
      %dma_wait3A_269 = tpu.memref_squeeze %dma_wait3A_268 : memref<1x128x128xf32, #tpu.memory_space<vmem>> -> memref<128x128xf32, #tpu.memory_space<vmem>>
      %dma_wait3A_270 = arith.constant 0 : i32
      %dma_wait3A_271 = tpu.memref_slice %arg5[%dma_wait3A_265, %dma_wait3A_270] : memref<200x128xi32, #tpu.memory_space<vmem>> -> memref<1x128xi32, #tpu.memory_space<vmem>>
      %dma_wait3A_272 = tpu.memref_squeeze %dma_wait3A_271 : memref<1x128xi32, #tpu.memory_space<vmem>> -> memref<128xi32, #tpu.memory_space<vmem>>
      %dma_wait3A_273 = arith.constant 0 : i32
      %dma_wait3A_274 = arith.constant 0 : i32
      %dma_wait3A_275 = tpu.memref_slice %arg2[%dma_wait3A_273, %dma_wait3A_274] : memref<100000x128xf32, #tpu.memory_space<hbm>> -> memref<100000x128xf32, #tpu.memory_space<hbm>>
      tpu.wait_indirect_dma semaphore(%arg10 : memref<!tpu.dma_semaphore, #tpu.memory_space<semaphore_mem>>) src(%dma_wait3A_275 : memref<100000x128xf32, #tpu.memory_space<hbm>>) dst(%dma_wait3A_269 : memref<128x128xf32, #tpu.memory_space<vmem>>)
      %scan3A_276 = arith.constant 0 : i32
      %scan3A_277 = arith.constant 0 : i32
      %scan3A_278 = arith.constant 128 : i32
      %scan3A_279 = arith.addi %scan3A_277, %scan3A_278 : i32
      %scan3A_280 = arith.constant 2 : i32
      %scan3A_281 = scf.for %scan3A_343 = %scan3A_277 to %scan3A_279 step %scan3A_280 iter_args(%scan3A_344 = %scan3A_276) -> (i32)  : i32 {
        %get3A = arith.constant 3 : i32
        %get3A_345 = arith.index_cast %get3A : i32 to index
        %get3A_346 = arith.index_cast %scan3A_343 : i32 to index
        %get3A_347 = arith.constant 0 : index
        %get3A_348 = tpu.vector_load %arg6[%get3A_345, %get3A_346, %get3A_347] {strides = array<i32>} : memref<5x128x128xf32, #tpu.memory_space<vmem>>, vector<1x1x16xf32>,
        %get3A_349 = vector.shape_cast %get3A_348 : vector<1x1x16xf32> to vector<16xf32>
        %mul3A_350 = arith.constant 11.3137083 : f32
        %mul3A_351 = vector.broadcast %mul3A_350 : f32 to vector<16xf32>
        %mul3A_352 = arith.mulf %get3A_349, %mul3A_351 : vector<16xf32>
        %swap3A = arith.constant 3 : i32
        %swap3A_353 = arith.index_cast %swap3A : i32 to index
        %swap3A_354 = arith.index_cast %scan3A_343 : i32 to index
        %swap3A_355 = arith.constant 0 : index
        %swap3A_356 = tpu.vector_load %arg6[%swap3A_353, %swap3A_354, %swap3A_355] {strides = array<i32>} : memref<5x128x128xf32, #tpu.memory_space<vmem>>, vector<1x1x16xf32>,
        %swap3A_357 = vector.shape_cast %swap3A_356 : vector<1x1x16xf32> to vector<16xf32>
        %swap3A_358 = vector.shape_cast %mul3A_352 : vector<16xf32> to vector<1x1x16xf32>
        tpu.vector_store %arg6[%swap3A_353, %swap3A_354, %swap3A_355], %swap3A_358 {strides = array<i32>} : memref<5x128x128xf32, #tpu.memory_space<vmem>>, vector<1x1x16xf32>,
        %get3A_359 = arith.constant 3 : i32
        %get3A_360 = arith.index_cast %get3A_359 : i32 to index
        %get3A_361 = arith.index_cast %scan3A_343 : i32 to index
        %get3A_362 = arith.constant 16 : index
        %get3A_363 = tpu.vector_load %arg6[%get3A_360, %get3A_361, %get3A_362] {strides = array<i32>} : memref<5x128x128xf32, #tpu.memory_space<vmem>>, vector<1x1x16xf32>,
        %get3A_364 = vector.shape_cast %get3A_363 : vector<1x1x16xf32> to vector<16xf32>
        %mul3A_365 = arith.constant 11.3137083 : f32
        %mul3A_366 = vector.broadcast %mul3A_365 : f32 to vector<16xf32>
        %mul3A_367 = arith.mulf %get3A_364, %mul3A_366 : vector<16xf32>
        %swap3A_368 = arith.constant 3 : i32
        %swap3A_369 = arith.index_cast %swap3A_368 : i32 to index
        %swap3A_370 = arith.index_cast %scan3A_343 : i32 to index
        %swap3A_371 = arith.constant 16 : index
        %swap3A_372 = tpu.vector_load %arg6[%swap3A_369, %swap3A_370, %swap3A_371] {strides = array<i32>} : memref<5x128x128xf32, #tpu.memory_space<vmem>>, vector<1x1x16xf32>,
        %swap3A_373 = vector.shape_cast %swap3A_372 : vector<1x1x16xf32> to vector<16xf32>
        %swap3A_374 = vector.shape_cast %mul3A_367 : vector<16xf32> to vector<1x1x16xf32>
        tpu.vector_store %arg6[%swap3A_369, %swap3A_370, %swap3A_371], %swap3A_374 {strides = array<i32>} : memref<5x128x128xf32, #tpu.memory_space<vmem>>, vector<1x1x16xf32>,
        %get3A_375 = arith.constant 3 : i32
        %get3A_376 = arith.index_cast %get3A_375 : i32 to index
        %get3A_377 = arith.index_cast %scan3A_343 : i32 to index
        %get3A_378 = arith.constant 32 : index
        %get3A_379 = tpu.vector_load %arg6[%get3A_376, %get3A_377, %get3A_378] {strides = array<i32>} : memref<5x128x128xf32, #tpu.memory_space<vmem>>, vector<1x1x16xf32>,
        %get3A_380 = vector.shape_cast %get3A_379 : vector<1x1x16xf32> to vector<16xf32>
        %mul3A_381 = arith.constant 11.3137083 : f32
        %mul3A_382 = vector.broadcast %mul3A_381 : f32 to vector<16xf32>
        %mul3A_383 = arith.mulf %get3A_380, %mul3A_382 : vector<16xf32>
        %swap3A_384 = arith.constant 3 : i32
        %swap3A_385 = arith.index_cast %swap3A_384 : i32 to index
        %swap3A_386 = arith.index_cast %scan3A_343 : i32 to index
        %swap3A_387 = arith.constant 32 : index
        %swap3A_388 = tpu.vector_load %arg6[%swap3A_385, %swap3A_386, %swap3A_387] {strides = array<i32>} : memref<5x128x128xf32, #tpu.memory_space<vmem>>, vector<1x1x16xf32>,
        %swap3A_389 = vector.shape_cast %swap3A_388 : vector<1x1x16xf32> to vector<16xf32>
        %swap3A_390 = vector.shape_cast %mul3A_383 : vector<16xf32> to vector<1x1x16xf32>
        tpu.vector_store %arg6[%swap3A_385, %swap3A_386, %swap3A_387], %swap3A_390 {strides = array<i32>} : memref<5x128x128xf32, #tpu.memory_space<vmem>>, vector<1x1x16xf32>,
        %get3A_391 = arith.constant 3 : i32
        %get3A_392 = arith.index_cast %get3A_391 : i32 to index
        %get3A_393 = arith.index_cast %scan3A_343 : i32 to index
        %get3A_394 = arith.constant 48 : index
        %get3A_395 = tpu.vector_load %arg6[%get3A_392, %get3A_393, %get3A_394] {strides = array<i32>} : memref<5x128x128xf32, #tpu.memory_space<vmem>>, vector<1x1x16xf32>,
        %get3A_396 = vector.shape_cast %get3A_395 : vector<1x1x16xf32> to vector<16xf32>
        %mul3A_397 = arith.constant 11.3137083 : f32
        %mul3A_398 = vector.broadcast %mul3A_397 : f32 to vector<16xf32>
        %mul3A_399 = arith.mulf %get3A_396, %mul3A_398 : vector<16xf32>
        %swap3A_400 = arith.constant 3 : i32
        %swap3A_401 = arith.index_cast %swap3A_400 : i32 to index
        %swap3A_402 = arith.index_cast %scan3A_343 : i32 to index
        %swap3A_403 = arith.constant 48 : index
        %swap3A_404 = tpu.vector_load %arg6[%swap3A_401, %swap3A_402, %swap3A_403] {strides = array<i32>} : memref<5x128x128xf32, #tpu.memory_space<vmem>>, vector<1x1x16xf32>,
        %swap3A_405 = vector.shape_cast %swap3A_404 : vector<1x1x16xf32> to vector<16xf32>
        %swap3A_406 = vector.shape_cast %mul3A_399 : vector<16xf32> to vector<1x1x16xf32>
        tpu.vector_store %arg6[%swap3A_401, %swap3A_402, %swap3A_403], %swap3A_406 {strides = array<i32>} : memref<5x128x128xf32, #tpu.memory_space<vmem>>, vector<1x1x16xf32>,
        %get3A_407 = arith.constant 3 : i32
        %get3A_408 = arith.index_cast %get3A_407 : i32 to index
        %get3A_409 = arith.index_cast %scan3A_343 : i32 to index
        %get3A_410 = arith.constant 64 : index
        %get3A_411 = tpu.vector_load %arg6[%get3A_408, %get3A_409, %get3A_410] {strides = array<i32>} : memref<5x128x128xf32, #tpu.memory_space<vmem>>, vector<1x1x16xf32>,
        %get3A_412 = vector.shape_cast %get3A_411 : vector<1x1x16xf32> to vector<16xf32>
        %mul3A_413 = arith.constant 11.3137083 : f32
        %mul3A_414 = vector.broadcast %mul3A_413 : f32 to vector<16xf32>
        %mul3A_415 = arith.mulf %get3A_412, %mul3A_414 : vector<16xf32>
        %swap3A_416 = arith.constant 3 : i32
        %swap3A_417 = arith.index_cast %swap3A_416 : i32 to index
        %swap3A_418 = arith.index_cast %scan3A_343 : i32 to index
        %swap3A_419 = arith.constant 64 : index
        %swap3A_420 = tpu.vector_load %arg6[%swap3A_417, %swap3A_418, %swap3A_419] {strides = array<i32>} : memref<5x128x128xf32, #tpu.memory_space<vmem>>, vector<1x1x16xf32>,
        %swap3A_421 = vector.shape_cast %swap3A_420 : vector<1x1x16xf32> to vector<16xf32>
        %swap3A_422 = vector.shape_cast %mul3A_415 : vector<16xf32> to vector<1x1x16xf32>
        tpu.vector_store %arg6[%swap3A_417, %swap3A_418, %swap3A_419], %swap3A_422 {strides = array<i32>} : memref<5x128x128xf32, #tpu.memory_space<vmem>>, vector<1x1x16xf32>,
        %get3A_423 = arith.constant 3 : i32
        %get3A_424 = arith.index_cast %get3A_423 : i32 to index
        %get3A_425 = arith.index_cast %scan3A_343 : i32 to index
        %get3A_426 = arith.constant 80 : index
        %get3A_427 = tpu.vector_load %arg6[%get3A_424, %get3A_425, %get3A_426] {strides = array<i32>} : memref<5x128x128xf32, #tpu.memory_space<vmem>>, vector<1x1x16xf32>,
        %get3A_428 = vector.shape_cast %get3A_427 : vector<1x1x16xf32> to vector<16xf32>
        %mul3A_429 = arith.constant 11.3137083 : f32
        %mul3A_430 = vector.broadcast %mul3A_429 : f32 to vector<16xf32>
        %mul3A_431 = arith.mulf %get3A_428, %mul3A_430 : vector<16xf32>
        %swap3A_432 = arith.constant 3 : i32
        %swap3A_433 = arith.index_cast %swap3A_432 : i32 to index
        %swap3A_434 = arith.index_cast %scan3A_343 : i32 to index
        %swap3A_435 = arith.constant 80 : index
        %swap3A_436 = tpu.vector_load %arg6[%swap3A_433, %swap3A_434, %swap3A_435] {strides = array<i32>} : memref<5x128x128xf32, #tpu.memory_space<vmem>>, vector<1x1x16xf32>,
        %swap3A_437 = vector.shape_cast %swap3A_436 : vector<1x1x16xf32> to vector<16xf32>
        %swap3A_438 = vector.shape_cast %mul3A_431 : vector<16xf32> to vector<1x1x16xf32>
        tpu.vector_store %arg6[%swap3A_433, %swap3A_434, %swap3A_435], %swap3A_438 {strides = array<i32>} : memref<5x128x128xf32, #tpu.memory_space<vmem>>, vector<1x1x16xf32>,
        %get3A_439 = arith.constant 3 : i32
        %get3A_440 = arith.index_cast %get3A_439 : i32 to index
        %get3A_441 = arith.index_cast %scan3A_343 : i32 to index
        %get3A_442 = arith.constant 96 : index
        %get3A_443 = tpu.vector_load %arg6[%get3A_440, %get3A_441, %get3A_442] {strides = array<i32>} : memref<5x128x128xf32, #tpu.memory_space<vmem>>, vector<1x1x16xf32>,
        %get3A_444 = vector.shape_cast %get3A_443 : vector<1x1x16xf32> to vector<16xf32>
        %mul3A_445 = arith.constant 11.3137083 : f32
        %mul3A_446 = vector.broadcast %mul3A_445 : f32 to vector<16xf32>
        %mul3A_447 = arith.mulf %get3A_444, %mul3A_446 : vector<16xf32>
        %swap3A_448 = arith.constant 3 : i32
        %swap3A_449 = arith.index_cast %swap3A_448 : i32 to index
        %swap3A_450 = arith.index_cast %scan3A_343 : i32 to index
        %swap3A_451 = arith.constant 96 : index
        %swap3A_452 = tpu.vector_load %arg6[%swap3A_449, %swap3A_450, %swap3A_451] {strides = array<i32>} : memref<5x128x128xf32, #tpu.memory_space<vmem>>, vector<1x1x16xf32>,
        %swap3A_453 = vector.shape_cast %swap3A_452 : vector<1x1x16xf32> to vector<16xf32>
        %swap3A_454 = vector.shape_cast %mul3A_447 : vector<16xf32> to vector<1x1x16xf32>
        tpu.vector_store %arg6[%swap3A_449, %swap3A_450, %swap3A_451], %swap3A_454 {strides = array<i32>} : memref<5x128x128xf32, #tpu.memory_space<vmem>>, vector<1x1x16xf32>,
        %get3A_455 = arith.constant 3 : i32
        %get3A_456 = arith.index_cast %get3A_455 : i32 to index
        %get3A_457 = arith.index_cast %scan3A_343 : i32 to index
        %get3A_458 = arith.constant 112 : index
        %get3A_459 = tpu.vector_load %arg6[%get3A_456, %get3A_457, %get3A_458] {strides = array<i32>} : memref<5x128x128xf32, #tpu.memory_space<vmem>>, vector<1x1x16xf32>,
        %get3A_460 = vector.shape_cast %get3A_459 : vector<1x1x16xf32> to vector<16xf32>
        %mul3A_461 = arith.constant 11.3137083 : f32
        %mul3A_462 = vector.broadcast %mul3A_461 : f32 to vector<16xf32>
        %mul3A_463 = arith.mulf %get3A_460, %mul3A_462 : vector<16xf32>
        %swap3A_464 = arith.constant 3 : i32
        %swap3A_465 = arith.index_cast %swap3A_464 : i32 to index
        %swap3A_466 = arith.index_cast %scan3A_343 : i32 to index
        %swap3A_467 = arith.constant 112 : index
        %swap3A_468 = tpu.vector_load %arg6[%swap3A_465, %swap3A_466, %swap3A_467] {strides = array<i32>} : memref<5x128x128xf32, #tpu.memory_space<vmem>>, vector<1x1x16xf32>,
        %swap3A_469 = vector.shape_cast %swap3A_468 : vector<1x1x16xf32> to vector<16xf32>
        %swap3A_470 = vector.shape_cast %mul3A_463 : vector<16xf32> to vector<1x1x16xf32>
        tpu.vector_store %arg6[%swap3A_465, %swap3A_466, %swap3A_467], %swap3A_470 {strides = array<i32>} : memref<5x128x128xf32, #tpu.memory_space<vmem>>, vector<1x1x16xf32>,
        %scan3A_471 = arith.constant 0 : i32
        %scan3A_472 = arith.constant 1 : i32
        %scan3A_473 = arith.addi %scan3A_343, %scan3A_472 : i32
        %get3A_474 = arith.constant 3 : i32
        %get3A_475 = arith.index_cast %get3A_474 : i32 to index
        %get3A_476 = arith.index_cast %scan3A_473 : i32 to index
        %get3A_477 = arith.constant 0 : index
        %get3A_478 = tpu.vector_load %arg6[%get3A_475, %get3A_476, %get3A_477] {strides = array<i32>} : memref<5x128x128xf32, #tpu.memory_space<vmem>>, vector<1x1x16xf32>,
        %get3A_479 = vector.shape_cast %get3A_478 : vector<1x1x16xf32> to vector<16xf32>
        %mul3A_480 = arith.constant 11.3137083 : f32
        %mul3A_481 = vector.broadcast %mul3A_480 : f32 to vector<16xf32>
        %mul3A_482 = arith.mulf %get3A_479, %mul3A_481 : vector<16xf32>
        %swap3A_483 = arith.constant 3 : i32
        %swap3A_484 = arith.index_cast %swap3A_483 : i32 to index
        %swap3A_485 = arith.index_cast %scan3A_473 : i32 to index
        %swap3A_486 = arith.constant 0 : index
        %swap3A_487 = tpu.vector_load %arg6[%swap3A_484, %swap3A_485, %swap3A_486] {strides = array<i32>} : memref<5x128x128xf32, #tpu.memory_space<vmem>>, vector<1x1x16xf32>,
        %swap3A_488 = vector.shape_cast %swap3A_487 : vector<1x1x16xf32> to vector<16xf32>
        %swap3A_489 = vector.shape_cast %mul3A_482 : vector<16xf32> to vector<1x1x16xf32>
        tpu.vector_store %arg6[%swap3A_484, %swap3A_485, %swap3A_486], %swap3A_489 {strides = array<i32>} : memref<5x128x128xf32, #tpu.memory_space<vmem>>, vector<1x1x16xf32>,
        %get3A_490 = arith.constant 3 : i32
        %get3A_491 = arith.index_cast %get3A_490 : i32 to index
        %get3A_492 = arith.index_cast %scan3A_473 : i32 to index
        %get3A_493 = arith.constant 16 : index
        %get3A_494 = tpu.vector_load %arg6[%get3A_491, %get3A_492, %get3A_493] {strides = array<i32>} : memref<5x128x128xf32, #tpu.memory_space<vmem>>, vector<1x1x16xf32>,
        %get3A_495 = vector.shape_cast %get3A_494 : vector<1x1x16xf32> to vector<16xf32>
        %mul3A_496 = arith.constant 11.3137083 : f32
        %mul3A_497 = vector.broadcast %mul3A_496 : f32 to vector<16xf32>
        %mul3A_498 = arith.mulf %get3A_495, %mul3A_497 : vector<16xf32>
        %swap3A_499 = arith.constant 3 : i32
        %swap3A_500 = arith.index_cast %swap3A_499 : i32 to index
        %swap3A_501 = arith.index_cast %scan3A_473 : i32 to index
        %swap3A_502 = arith.constant 16 : index
        %swap3A_503 = tpu.vector_load %arg6[%swap3A_500, %swap3A_501, %swap3A_502] {strides = array<i32>} : memref<5x128x128xf32, #tpu.memory_space<vmem>>, vector<1x1x16xf32>,
        %swap3A_504 = vector.shape_cast %swap3A_503 : vector<1x1x16xf32> to vector<16xf32>
        %swap3A_505 = vector.shape_cast %mul3A_498 : vector<16xf32> to vector<1x1x16xf32>
        tpu.vector_store %arg6[%swap3A_500, %swap3A_501, %swap3A_502], %swap3A_505 {strides = array<i32>} : memref<5x128x128xf32, #tpu.memory_space<vmem>>, vector<1x1x16xf32>,
        %get3A_506 = arith.constant 3 : i32
        %get3A_507 = arith.index_cast %get3A_506 : i32 to index
        %get3A_508 = arith.index_cast %scan3A_473 : i32 to index
        %get3A_509 = arith.constant 32 : index
        %get3A_510 = tpu.vector_load %arg6[%get3A_507, %get3A_508, %get3A_509] {strides = array<i32>} : memref<5x128x128xf32, #tpu.memory_space<vmem>>, vector<1x1x16xf32>,
        %get3A_511 = vector.shape_cast %get3A_510 : vector<1x1x16xf32> to vector<16xf32>
        %mul3A_512 = arith.constant 11.3137083 : f32
        %mul3A_513 = vector.broadcast %mul3A_512 : f32 to vector<16xf32>
        %mul3A_514 = arith.mulf %get3A_511, %mul3A_513 : vector<16xf32>
        %swap3A_515 = arith.constant 3 : i32
        %swap3A_516 = arith.index_cast %swap3A_515 : i32 to index
        %swap3A_517 = arith.index_cast %scan3A_473 : i32 to index
        %swap3A_518 = arith.constant 32 : index
        %swap3A_519 = tpu.vector_load %arg6[%swap3A_516, %swap3A_517, %swap3A_518] {strides = array<i32>} : memref<5x128x128xf32, #tpu.memory_space<vmem>>, vector<1x1x16xf32>,
        %swap3A_520 = vector.shape_cast %swap3A_519 : vector<1x1x16xf32> to vector<16xf32>
        %swap3A_521 = vector.shape_cast %mul3A_514 : vector<16xf32> to vector<1x1x16xf32>
        tpu.vector_store %arg6[%swap3A_516, %swap3A_517, %swap3A_518], %swap3A_521 {strides = array<i32>} : memref<5x128x128xf32, #tpu.memory_space<vmem>>, vector<1x1x16xf32>,
        %get3A_522 = arith.constant 3 : i32
        %get3A_523 = arith.index_cast %get3A_522 : i32 to index
        %get3A_524 = arith.index_cast %scan3A_473 : i32 to index
        %get3A_525 = arith.constant 48 : index
        %get3A_526 = tpu.vector_load %arg6[%get3A_523, %get3A_524, %get3A_525] {strides = array<i32>} : memref<5x128x128xf32, #tpu.memory_space<vmem>>, vector<1x1x16xf32>,
        %get3A_527 = vector.shape_cast %get3A_526 : vector<1x1x16xf32> to vector<16xf32>
        %mul3A_528 = arith.constant 11.3137083 : f32
        %mul3A_529 = vector.broadcast %mul3A_528 : f32 to vector<16xf32>
        %mul3A_530 = arith.mulf %get3A_527, %mul3A_529 : vector<16xf32>
        %swap3A_531 = arith.constant 3 : i32
        %swap3A_532 = arith.index_cast %swap3A_531 : i32 to index
        %swap3A_533 = arith.index_cast %scan3A_473 : i32 to index
        %swap3A_534 = arith.constant 48 : index
        %swap3A_535 = tpu.vector_load %arg6[%swap3A_532, %swap3A_533, %swap3A_534] {strides = array<i32>} : memref<5x128x128xf32, #tpu.memory_space<vmem>>, vector<1x1x16xf32>,
        %swap3A_536 = vector.shape_cast %swap3A_535 : vector<1x1x16xf32> to vector<16xf32>
        %swap3A_537 = vector.shape_cast %mul3A_530 : vector<16xf32> to vector<1x1x16xf32>
        tpu.vector_store %arg6[%swap3A_532, %swap3A_533, %swap3A_534], %swap3A_537 {strides = array<i32>} : memref<5x128x128xf32, #tpu.memory_space<vmem>>, vector<1x1x16xf32>,
        %get3A_538 = arith.constant 3 : i32
        %get3A_539 = arith.index_cast %get3A_538 : i32 to index
        %get3A_540 = arith.index_cast %scan3A_473 : i32 to index
        %get3A_541 = arith.constant 64 : index
        %get3A_542 = tpu.vector_load %arg6[%get3A_539, %get3A_540, %get3A_541] {strides = array<i32>} : memref<5x128x128xf32, #tpu.memory_space<vmem>>, vector<1x1x16xf32>,
        %get3A_543 = vector.shape_cast %get3A_542 : vector<1x1x16xf32> to vector<16xf32>
        %mul3A_544 = arith.constant 11.3137083 : f32
        %mul3A_545 = vector.broadcast %mul3A_544 : f32 to vector<16xf32>
        %mul3A_546 = arith.mulf %get3A_543, %mul3A_545 : vector<16xf32>
        %swap3A_547 = arith.constant 3 : i32
        %swap3A_548 = arith.index_cast %swap3A_547 : i32 to index
        %swap3A_549 = arith.index_cast %scan3A_473 : i32 to index
        %swap3A_550 = arith.constant 64 : index
        %swap3A_551 = tpu.vector_load %arg6[%swap3A_548, %swap3A_549, %swap3A_550] {strides = array<i32>} : memref<5x128x128xf32, #tpu.memory_space<vmem>>, vector<1x1x16xf32>,
        %swap3A_552 = vector.shape_cast %swap3A_551 : vector<1x1x16xf32> to vector<16xf32>
        %swap3A_553 = vector.shape_cast %mul3A_546 : vector<16xf32> to vector<1x1x16xf32>
        tpu.vector_store %arg6[%swap3A_548, %swap3A_549, %swap3A_550], %swap3A_553 {strides = array<i32>} : memref<5x128x128xf32, #tpu.memory_space<vmem>>, vector<1x1x16xf32>,
        %get3A_554 = arith.constant 3 : i32
        %get3A_555 = arith.index_cast %get3A_554 : i32 to index
        %get3A_556 = arith.index_cast %scan3A_473 : i32 to index
        %get3A_557 = arith.constant 80 : index
        %get3A_558 = tpu.vector_load %arg6[%get3A_555, %get3A_556, %get3A_557] {strides = array<i32>} : memref<5x128x128xf32, #tpu.memory_space<vmem>>, vector<1x1x16xf32>,
        %get3A_559 = vector.shape_cast %get3A_558 : vector<1x1x16xf32> to vector<16xf32>
        %mul3A_560 = arith.constant 11.3137083 : f32
        %mul3A_561 = vector.broadcast %mul3A_560 : f32 to vector<16xf32>
        %mul3A_562 = arith.mulf %get3A_559, %mul3A_561 : vector<16xf32>
        %swap3A_563 = arith.constant 3 : i32
        %swap3A_564 = arith.index_cast %swap3A_563 : i32 to index
        %swap3A_565 = arith.index_cast %scan3A_473 : i32 to index
        %swap3A_566 = arith.constant 80 : index
        %swap3A_567 = tpu.vector_load %arg6[%swap3A_564, %swap3A_565, %swap3A_566] {strides = array<i32>} : memref<5x128x128xf32, #tpu.memory_space<vmem>>, vector<1x1x16xf32>,
        %swap3A_568 = vector.shape_cast %swap3A_567 : vector<1x1x16xf32> to vector<16xf32>
        %swap3A_569 = vector.shape_cast %mul3A_562 : vector<16xf32> to vector<1x1x16xf32>
        tpu.vector_store %arg6[%swap3A_564, %swap3A_565, %swap3A_566], %swap3A_569 {strides = array<i32>} : memref<5x128x128xf32, #tpu.memory_space<vmem>>, vector<1x1x16xf32>,
        %get3A_570 = arith.constant 3 : i32
        %get3A_571 = arith.index_cast %get3A_570 : i32 to index
        %get3A_572 = arith.index_cast %scan3A_473 : i32 to index
        %get3A_573 = arith.constant 96 : index
        %get3A_574 = tpu.vector_load %arg6[%get3A_571, %get3A_572, %get3A_573] {strides = array<i32>} : memref<5x128x128xf32, #tpu.memory_space<vmem>>, vector<1x1x16xf32>,
        %get3A_575 = vector.shape_cast %get3A_574 : vector<1x1x16xf32> to vector<16xf32>
        %mul3A_576 = arith.constant 11.3137083 : f32
        %mul3A_577 = vector.broadcast %mul3A_576 : f32 to vector<16xf32>
        %mul3A_578 = arith.mulf %get3A_575, %mul3A_577 : vector<16xf32>
        %swap3A_579 = arith.constant 3 : i32
        %swap3A_580 = arith.index_cast %swap3A_579 : i32 to index
        %swap3A_581 = arith.index_cast %scan3A_473 : i32 to index
        %swap3A_582 = arith.constant 96 : index
        %swap3A_583 = tpu.vector_load %arg6[%swap3A_580, %swap3A_581, %swap3A_582] {strides = array<i32>} : memref<5x128x128xf32, #tpu.memory_space<vmem>>, vector<1x1x16xf32>,
        %swap3A_584 = vector.shape_cast %swap3A_583 : vector<1x1x16xf32> to vector<16xf32>
        %swap3A_585 = vector.shape_cast %mul3A_578 : vector<16xf32> to vector<1x1x16xf32>
        tpu.vector_store %arg6[%swap3A_580, %swap3A_581, %swap3A_582], %swap3A_585 {strides = array<i32>} : memref<5x128x128xf32, #tpu.memory_space<vmem>>, vector<1x1x16xf32>,
        %get3A_586 = arith.constant 3 : i32
        %get3A_587 = arith.index_cast %get3A_586 : i32 to index
        %get3A_588 = arith.index_cast %scan3A_473 : i32 to index
        %get3A_589 = arith.constant 112 : index
        %get3A_590 = tpu.vector_load %arg6[%get3A_587, %get3A_588, %get3A_589] {strides = array<i32>} : memref<5x128x128xf32, #tpu.memory_space<vmem>>, vector<1x1x16xf32>,
        %get3A_591 = vector.shape_cast %get3A_590 : vector<1x1x16xf32> to vector<16xf32>
        %mul3A_592 = arith.constant 11.3137083 : f32
        %mul3A_593 = vector.broadcast %mul3A_592 : f32 to vector<16xf32>
        %mul3A_594 = arith.mulf %get3A_591, %mul3A_593 : vector<16xf32>
        %swap3A_595 = arith.constant 3 : i32
        %swap3A_596 = arith.index_cast %swap3A_595 : i32 to index
        %swap3A_597 = arith.index_cast %scan3A_473 : i32 to index
        %swap3A_598 = arith.constant 112 : index
        %swap3A_599 = tpu.vector_load %arg6[%swap3A_596, %swap3A_597, %swap3A_598] {strides = array<i32>} : memref<5x128x128xf32, #tpu.memory_space<vmem>>, vector<1x1x16xf32>,
        %swap3A_600 = vector.shape_cast %swap3A_599 : vector<1x1x16xf32> to vector<16xf32>
        %swap3A_601 = vector.shape_cast %mul3A_594 : vector<16xf32> to vector<1x1x16xf32>
        tpu.vector_store %arg6[%swap3A_596, %swap3A_597, %swap3A_598], %swap3A_601 {strides = array<i32>} : memref<5x128x128xf32, #tpu.memory_space<vmem>>, vector<1x1x16xf32>,
        %scan3A_602 = arith.constant 0 : i32
        scf.yield %scan3A_602 : i32
      }
      %scan3A_282 = arith.constant 128 : i32
      %add3A_283 = arith.addi %mul3A_2, %add3A_257 : i32
      %mul3A_284 = arith.constant 128 : i32
      %mul3A_285 = arith.muli %add3A_283, %mul3A_284 : i32
      %dma_start3A_286 = arith.constant 0 : i32
      %dma_start3A_287 = arith.constant 0 : i32
      %dma_start3A_288 = tpu.memref_slice %arg6[%scan3A, %dma_start3A_286, %dma_start3A_287] : memref<5x128x128xf32, #tpu.memory_space<vmem>> -> memref<1x128x128xf32, #tpu.memory_space<vmem>>
      %dma_start3A_289 = tpu.memref_squeeze %dma_start3A_288 : memref<1x128x128xf32, #tpu.memory_space<vmem>> -> memref<128x128xf32, #tpu.memory_space<vmem>>
      %dma_start3A_290 = arith.constant 0 : i32
      %dma_start3A_291 = tpu.memref_slice %arg4[%mul3A_285, %dma_start3A_290] : memref<819200x128xf32, #tpu.memory_space<hbm>> -> memref<128x128xf32, #tpu.memory_space<hbm>>
      %dma_start3A_292 = arith.constant 0 : i32
      %dma_start3A_293 = tpu.memref_slice %arg4[%mul3A_285, %dma_start3A_292] : memref<819200x128xf32, #tpu.memory_space<hbm>> -> memref<128x128xf32, #tpu.memory_space<hbm>>
      %dma_start3A_294 = arith.constant 0 : i32
      %dma_start3A_295 = arith.constant 0 : i32
      %dma_start3A_296 = tpu.memref_slice %arg6[%scan3A, %dma_start3A_294, %dma_start3A_295] : memref<5x128x128xf32, #tpu.memory_space<vmem>> -> memref<1x128x128xf32, #tpu.memory_space<vmem>>
      %dma_start3A_297 = tpu.memref_squeeze %dma_start3A_296 : memref<1x128x128xf32, #tpu.memory_space<vmem>> -> memref<128x128xf32, #tpu.memory_space<vmem>>
      tpu.enqueue_dma source(%dma_start3A_297 : memref<128x128xf32, #tpu.memory_space<vmem>>) target(%dma_start3A_293 : memref<128x128xf32, #tpu.memory_space<hbm>>) target_semaphore(%arg15 : memref<!tpu.dma_semaphore, #tpu.memory_space<semaphore_mem>>)
      %mul3A_298 = arith.constant 5 : i32
      %mul3A_299 = arith.muli %mul3A_298, %scan3A_123 : i32
      %add3A_300 = arith.constant 4 : i32
      %add3A_301 = arith.addi %mul3A_299, %add3A_300 : i32
      %add3A_302 = arith.constant 3 : i32
      %add3A_303 = arith.addi %add3A_301, %add3A_302 : i32
      %lt3A_304 = arith.constant 200 : i32
      %lt3A_305 = arith.cmpi slt, %add3A_303, %lt3A_304 : i32
      %convert_element_type3A_306 = arith.extui %lt3A_305 : i1 to i32
      %cond3A_307 = arith.constant 0 : i32
      %cond3A_308 = arith.cmpi ne, %convert_element_type3A_306, %cond3A_307 : i32
      scf.if %cond3A_308 {
        %ge3A = arith.constant 5 : i32
        %ge3A_343 = arith.cmpi sge, %add3A_303, %ge3A : i32
        %convert_element_type3A_344 = arith.extui %ge3A_343 : i1 to i32
        %cond3A_345 = arith.constant 0 : i32
        %cond3A_346 = arith.cmpi ne, %convert_element_type3A_344, %cond3A_345 : i32
        scf.if %cond3A_346 {
          %dma_wait3A_357 = arith.constant 0 : i32
          %dma_wait3A_358 = arith.constant 0 : i32
          %dma_wait3A_359 = tpu.memref_slice %arg6[%scan3A_41, %dma_wait3A_357, %dma_wait3A_358] : memref<5x128x128xf32, #tpu.memory_space<vmem>> -> memref<1x128x128xf32, #tpu.memory_space<vmem>>
          %dma_wait3A_360 = tpu.memref_squeeze %dma_wait3A_359 : memref<1x128x128xf32, #tpu.memory_space<vmem>> -> memref<128x128xf32, #tpu.memory_space<vmem>>
          %dma_wait3A_361 = arith.constant 0 : i32
          %dma_wait3A_362 = arith.constant 0 : i32
          %dma_wait3A_363 = tpu.memref_slice %arg4[%dma_wait3A_361, %dma_wait3A_362] : memref<819200x128xf32, #tpu.memory_space<hbm>> -> memref<128x128xf32, #tpu.memory_space<hbm>>
          %dma_wait3A_364 = arith.constant 0 : i32
          %dma_wait3A_365 = arith.constant 0 : i32
          %dma_wait3A_366 = tpu.memref_slice %arg4[%dma_wait3A_364, %dma_wait3A_365] : memref<819200x128xf32, #tpu.memory_space<hbm>> -> memref<128x128xf32, #tpu.memory_space<hbm>>
          %dma_wait3A_367 = arith.constant 0 : i32
          %dma_wait3A_368 = arith.constant 0 : i32
          %dma_wait3A_369 = tpu.memref_slice %arg6[%scan3A_41, %dma_wait3A_367, %dma_wait3A_368] : memref<5x128x128xf32, #tpu.memory_space<vmem>> -> memref<1x128x128xf32, #tpu.memory_space<vmem>>
          %dma_wait3A_370 = tpu.memref_squeeze %dma_wait3A_369 : memref<1x128x128xf32, #tpu.memory_space<vmem>> -> memref<128x128xf32, #tpu.memory_space<vmem>>
          tpu.wait_dma2 semaphore(%arg14 : memref<!tpu.dma_semaphore, #tpu.memory_space<semaphore_mem>>) src(%dma_wait3A_370 : memref<128x128xf32, #tpu.memory_space<vmem>>) dst(%dma_wait3A_366 : memref<128x128xf32, #tpu.memory_space<hbm>>)
        } else {
        }
        %dma_start3A_347 = arith.constant 0 : i32
        %dma_start3A_348 = arith.constant 0 : i32
        %dma_start3A_349 = tpu.memref_slice %arg6[%scan3A_41, %dma_start3A_347, %dma_start3A_348] : memref<5x128x128xf32, #tpu.memory_space<vmem>> -> memref<1x128x128xf32, #tpu.memory_space<vmem>>
        %dma_start3A_350 = tpu.memref_squeeze %dma_start3A_349 : memref<1x128x128xf32, #tpu.memory_space<vmem>> -> memref<128x128xf32, #tpu.memory_space<vmem>>
        %dma_start3A_351 = arith.constant 0 : i32
        %dma_start3A_352 = tpu.memref_slice %arg5[%add3A_303, %dma_start3A_351] : memref<200x128xi32, #tpu.memory_space<vmem>> -> memref<1x128xi32, #tpu.memory_space<vmem>>
        %dma_start3A_353 = tpu.memref_squeeze %dma_start3A_352 : memref<1x128xi32, #tpu.memory_space<vmem>> -> memref<128xi32, #tpu.memory_space<vmem>>
        %dma_start3A_354 = arith.constant 0 : i32
        %dma_start3A_355 = arith.constant 0 : i32
        %dma_start3A_356 = tpu.memref_slice %arg2[%dma_start3A_354, %dma_start3A_355] : memref<100000x128xf32, #tpu.memory_space<hbm>> -> memref<100000x128xf32, #tpu.memory_space<hbm>>
        tpu.enqueue_indirect_dma source(%dma_start3A_356 : memref<100000x128xf32, #tpu.memory_space<hbm>>) target(%dma_start3A_350 : memref<128x128xf32, #tpu.memory_space<vmem>>) offsets(%dma_start3A_353 : memref<128xi32, #tpu.memory_space<vmem>>) semaphore(%arg9 : memref<!tpu.dma_semaphore, #tpu.memory_space<semaphore_mem>>)
      } else {
      }
      %dma_wait3A_309 = arith.constant 0 : i32
      %dma_wait3A_310 = arith.constant 0 : i32
      %dma_wait3A_311 = arith.constant 0 : i32
      %dma_wait3A_312 = tpu.memref_slice %arg6[%scan3A_39, %dma_wait3A_310, %dma_wait3A_311] : memref<5x128x128xf32, #tpu.memory_space<vmem>> -> memref<1x128x128xf32, #tpu.memory_space<vmem>>
      %dma_wait3A_313 = tpu.memref_squeeze %dma_wait3A_312 : memref<1x128x128xf32, #tpu.memory_space<vmem>> -> memref<128x128xf32, #tpu.memory_space<vmem>>
      %dma_wait3A_314 = arith.constant 0 : i32
      %dma_wait3A_315 = tpu.memref_slice %arg5[%dma_wait3A_309, %dma_wait3A_314] : memref<200x128xi32, #tpu.memory_space<vmem>> -> memref<1x128xi32, #tpu.memory_space<vmem>>
      %dma_wait3A_316 = tpu.memref_squeeze %dma_wait3A_315 : memref<1x128xi32, #tpu.memory_space<vmem>> -> memref<128xi32, #tpu.memory_space<vmem>>
      %dma_wait3A_317 = arith.constant 0 : i32
      %dma_wait3A_318 = arith.constant 0 : i32
      %dma_wait3A_319 = tpu.memref_slice %arg2[%dma_wait3A_317, %dma_wait3A_318] : memref<100000x128xf32, #tpu.memory_space<hbm>> -> memref<100000x128xf32, #tpu.memory_space<hbm>>
      tpu.wait_indirect_dma semaphore(%arg11 : memref<!tpu.dma_semaphore, #tpu.memory_space<semaphore_mem>>) src(%dma_wait3A_319 : memref<100000x128xf32, #tpu.memory_space<hbm>>) dst(%dma_wait3A_313 : memref<128x128xf32, #tpu.memory_space<vmem>>)
      %scan3A_320 = arith.constant 0 : i32
      %scan3A_321 = arith.constant 0 : i32
      %scan3A_322 = arith.constant 128 : i32
      %scan3A_323 = arith.addi %scan3A_321, %scan3A_322 : i32
      %scan3A_324 = arith.constant 2 : i32
      %scan3A_325 = scf.for %scan3A_343 = %scan3A_321 to %scan3A_323 step %scan3A_324 iter_args(%scan3A_344 = %scan3A_320) -> (i32)  : i32 {
        %get3A = arith.constant 4 : i32
        %get3A_345 = arith.index_cast %get3A : i32 to index
        %get3A_346 = arith.index_cast %scan3A_343 : i32 to index
        %get3A_347 = arith.constant 0 : index
        %get3A_348 = tpu.vector_load %arg6[%get3A_345, %get3A_346, %get3A_347] {strides = array<i32>} : memref<5x128x128xf32, #tpu.memory_space<vmem>>, vector<1x1x16xf32>,
        %get3A_349 = vector.shape_cast %get3A_348 : vector<1x1x16xf32> to vector<16xf32>
        %mul3A_350 = arith.constant 11.3137083 : f32
        %mul3A_351 = vector.broadcast %mul3A_350 : f32 to vector<16xf32>
        %mul3A_352 = arith.mulf %get3A_349, %mul3A_351 : vector<16xf32>
        %swap3A = arith.constant 4 : i32
        %swap3A_353 = arith.index_cast %swap3A : i32 to index
        %swap3A_354 = arith.index_cast %scan3A_343 : i32 to index
        %swap3A_355 = arith.constant 0 : index
        %swap3A_356 = tpu.vector_load %arg6[%swap3A_353, %swap3A_354, %swap3A_355] {strides = array<i32>} : memref<5x128x128xf32, #tpu.memory_space<vmem>>, vector<1x1x16xf32>,
        %swap3A_357 = vector.shape_cast %swap3A_356 : vector<1x1x16xf32> to vector<16xf32>
        %swap3A_358 = vector.shape_cast %mul3A_352 : vector<16xf32> to vector<1x1x16xf32>
        tpu.vector_store %arg6[%swap3A_353, %swap3A_354, %swap3A_355], %swap3A_358 {strides = array<i32>} : memref<5x128x128xf32, #tpu.memory_space<vmem>>, vector<1x1x16xf32>,
        %get3A_359 = arith.constant 4 : i32
        %get3A_360 = arith.index_cast %get3A_359 : i32 to index
        %get3A_361 = arith.index_cast %scan3A_343 : i32 to index
        %get3A_362 = arith.constant 16 : index
        %get3A_363 = tpu.vector_load %arg6[%get3A_360, %get3A_361, %get3A_362] {strides = array<i32>} : memref<5x128x128xf32, #tpu.memory_space<vmem>>, vector<1x1x16xf32>,
        %get3A_364 = vector.shape_cast %get3A_363 : vector<1x1x16xf32> to vector<16xf32>
        %mul3A_365 = arith.constant 11.3137083 : f32
        %mul3A_366 = vector.broadcast %mul3A_365 : f32 to vector<16xf32>
        %mul3A_367 = arith.mulf %get3A_364, %mul3A_366 : vector<16xf32>
        %swap3A_368 = arith.constant 4 : i32
        %swap3A_369 = arith.index_cast %swap3A_368 : i32 to index
        %swap3A_370 = arith.index_cast %scan3A_343 : i32 to index
        %swap3A_371 = arith.constant 16 : index
        %swap3A_372 = tpu.vector_load %arg6[%swap3A_369, %swap3A_370, %swap3A_371] {strides = array<i32>} : memref<5x128x128xf32, #tpu.memory_space<vmem>>, vector<1x1x16xf32>,
        %swap3A_373 = vector.shape_cast %swap3A_372 : vector<1x1x16xf32> to vector<16xf32>
        %swap3A_374 = vector.shape_cast %mul3A_367 : vector<16xf32> to vector<1x1x16xf32>
        tpu.vector_store %arg6[%swap3A_369, %swap3A_370, %swap3A_371], %swap3A_374 {strides = array<i32>} : memref<5x128x128xf32, #tpu.memory_space<vmem>>, vector<1x1x16xf32>,
        %get3A_375 = arith.constant 4 : i32
        %get3A_376 = arith.index_cast %get3A_375 : i32 to index
        %get3A_377 = arith.index_cast %scan3A_343 : i32 to index
        %get3A_378 = arith.constant 32 : index
        %get3A_379 = tpu.vector_load %arg6[%get3A_376, %get3A_377, %get3A_378] {strides = array<i32>} : memref<5x128x128xf32, #tpu.memory_space<vmem>>, vector<1x1x16xf32>,
        %get3A_380 = vector.shape_cast %get3A_379 : vector<1x1x16xf32> to vector<16xf32>
        %mul3A_381 = arith.constant 11.3137083 : f32
        %mul3A_382 = vector.broadcast %mul3A_381 : f32 to vector<16xf32>
        %mul3A_383 = arith.mulf %get3A_380, %mul3A_382 : vector<16xf32>
        %swap3A_384 = arith.constant 4 : i32
        %swap3A_385 = arith.index_cast %swap3A_384 : i32 to index
        %swap3A_386 = arith.index_cast %scan3A_343 : i32 to index
        %swap3A_387 = arith.constant 32 : index
        %swap3A_388 = tpu.vector_load %arg6[%swap3A_385, %swap3A_386, %swap3A_387] {strides = array<i32>} : memref<5x128x128xf32, #tpu.memory_space<vmem>>, vector<1x1x16xf32>,
        %swap3A_389 = vector.shape_cast %swap3A_388 : vector<1x1x16xf32> to vector<16xf32>
        %swap3A_390 = vector.shape_cast %mul3A_383 : vector<16xf32> to vector<1x1x16xf32>
        tpu.vector_store %arg6[%swap3A_385, %swap3A_386, %swap3A_387], %swap3A_390 {strides = array<i32>} : memref<5x128x128xf32, #tpu.memory_space<vmem>>, vector<1x1x16xf32>,
        %get3A_391 = arith.constant 4 : i32
        %get3A_392 = arith.index_cast %get3A_391 : i32 to index
        %get3A_393 = arith.index_cast %scan3A_343 : i32 to index
        %get3A_394 = arith.constant 48 : index
        %get3A_395 = tpu.vector_load %arg6[%get3A_392, %get3A_393, %get3A_394] {strides = array<i32>} : memref<5x128x128xf32, #tpu.memory_space<vmem>>, vector<1x1x16xf32>,
        %get3A_396 = vector.shape_cast %get3A_395 : vector<1x1x16xf32> to vector<16xf32>
        %mul3A_397 = arith.constant 11.3137083 : f32
        %mul3A_398 = vector.broadcast %mul3A_397 : f32 to vector<16xf32>
        %mul3A_399 = arith.mulf %get3A_396, %mul3A_398 : vector<16xf32>
        %swap3A_400 = arith.constant 4 : i32
        %swap3A_401 = arith.index_cast %swap3A_400 : i32 to index
        %swap3A_402 = arith.index_cast %scan3A_343 : i32 to index
        %swap3A_403 = arith.constant 48 : index
        %swap3A_404 = tpu.vector_load %arg6[%swap3A_401, %swap3A_402, %swap3A_403] {strides = array<i32>} : memref<5x128x128xf32, #tpu.memory_space<vmem>>, vector<1x1x16xf32>,
        %swap3A_405 = vector.shape_cast %swap3A_404 : vector<1x1x16xf32> to vector<16xf32>
        %swap3A_406 = vector.shape_cast %mul3A_399 : vector<16xf32> to vector<1x1x16xf32>
        tpu.vector_store %arg6[%swap3A_401, %swap3A_402, %swap3A_403], %swap3A_406 {strides = array<i32>} : memref<5x128x128xf32, #tpu.memory_space<vmem>>, vector<1x1x16xf32>,
        %get3A_407 = arith.constant 4 : i32
        %get3A_408 = arith.index_cast %get3A_407 : i32 to index
        %get3A_409 = arith.index_cast %scan3A_343 : i32 to index
        %get3A_410 = arith.constant 64 : index
        %get3A_411 = tpu.vector_load %arg6[%get3A_408, %get3A_409, %get3A_410] {strides = array<i32>} : memref<5x128x128xf32, #tpu.memory_space<vmem>>, vector<1x1x16xf32>,
        %get3A_412 = vector.shape_cast %get3A_411 : vector<1x1x16xf32> to vector<16xf32>
        %mul3A_413 = arith.constant 11.3137083 : f32
        %mul3A_414 = vector.broadcast %mul3A_413 : f32 to vector<16xf32>
        %mul3A_415 = arith.mulf %get3A_412, %mul3A_414 : vector<16xf32>
        %swap3A_416 = arith.constant 4 : i32
        %swap3A_417 = arith.index_cast %swap3A_416 : i32 to index
        %swap3A_418 = arith.index_cast %scan3A_343 : i32 to index
        %swap3A_419 = arith.constant 64 : index
        %swap3A_420 = tpu.vector_load %arg6[%swap3A_417, %swap3A_418, %swap3A_419] {strides = array<i32>} : memref<5x128x128xf32, #tpu.memory_space<vmem>>, vector<1x1x16xf32>,
        %swap3A_421 = vector.shape_cast %swap3A_420 : vector<1x1x16xf32> to vector<16xf32>
        %swap3A_422 = vector.shape_cast %mul3A_415 : vector<16xf32> to vector<1x1x16xf32>
        tpu.vector_store %arg6[%swap3A_417, %swap3A_418, %swap3A_419], %swap3A_422 {strides = array<i32>} : memref<5x128x128xf32, #tpu.memory_space<vmem>>, vector<1x1x16xf32>,
        %get3A_423 = arith.constant 4 : i32
        %get3A_424 = arith.index_cast %get3A_423 : i32 to index
        %get3A_425 = arith.index_cast %scan3A_343 : i32 to index
        %get3A_426 = arith.constant 80 : index
        %get3A_427 = tpu.vector_load %arg6[%get3A_424, %get3A_425, %get3A_426] {strides = array<i32>} : memref<5x128x128xf32, #tpu.memory_space<vmem>>, vector<1x1x16xf32>,
        %get3A_428 = vector.shape_cast %get3A_427 : vector<1x1x16xf32> to vector<16xf32>
        %mul3A_429 = arith.constant 11.3137083 : f32
        %mul3A_430 = vector.broadcast %mul3A_429 : f32 to vector<16xf32>
        %mul3A_431 = arith.mulf %get3A_428, %mul3A_430 : vector<16xf32>
        %swap3A_432 = arith.constant 4 : i32
        %swap3A_433 = arith.index_cast %swap3A_432 : i32 to index
        %swap3A_434 = arith.index_cast %scan3A_343 : i32 to index
        %swap3A_435 = arith.constant 80 : index
        %swap3A_436 = tpu.vector_load %arg6[%swap3A_433, %swap3A_434, %swap3A_435] {strides = array<i32>} : memref<5x128x128xf32, #tpu.memory_space<vmem>>, vector<1x1x16xf32>,
        %swap3A_437 = vector.shape_cast %swap3A_436 : vector<1x1x16xf32> to vector<16xf32>
        %swap3A_438 = vector.shape_cast %mul3A_431 : vector<16xf32> to vector<1x1x16xf32>
        tpu.vector_store %arg6[%swap3A_433, %swap3A_434, %swap3A_435], %swap3A_438 {strides = array<i32>} : memref<5x128x128xf32, #tpu.memory_space<vmem>>, vector<1x1x16xf32>,
        %get3A_439 = arith.constant 4 : i32
        %get3A_440 = arith.index_cast %get3A_439 : i32 to index
        %get3A_441 = arith.index_cast %scan3A_343 : i32 to index
        %get3A_442 = arith.constant 96 : index
        %get3A_443 = tpu.vector_load %arg6[%get3A_440, %get3A_441, %get3A_442] {strides = array<i32>} : memref<5x128x128xf32, #tpu.memory_space<vmem>>, vector<1x1x16xf32>,
        %get3A_444 = vector.shape_cast %get3A_443 : vector<1x1x16xf32> to vector<16xf32>
        %mul3A_445 = arith.constant 11.3137083 : f32
        %mul3A_446 = vector.broadcast %mul3A_445 : f32 to vector<16xf32>
        %mul3A_447 = arith.mulf %get3A_444, %mul3A_446 : vector<16xf32>
        %swap3A_448 = arith.constant 4 : i32
        %swap3A_449 = arith.index_cast %swap3A_448 : i32 to index
        %swap3A_450 = arith.index_cast %scan3A_343 : i32 to index
        %swap3A_451 = arith.constant 96 : index
        %swap3A_452 = tpu.vector_load %arg6[%swap3A_449, %swap3A_450, %swap3A_451] {strides = array<i32>} : memref<5x128x128xf32, #tpu.memory_space<vmem>>, vector<1x1x16xf32>,
        %swap3A_453 = vector.shape_cast %swap3A_452 : vector<1x1x16xf32> to vector<16xf32>
        %swap3A_454 = vector.shape_cast %mul3A_447 : vector<16xf32> to vector<1x1x16xf32>
        tpu.vector_store %arg6[%swap3A_449, %swap3A_450, %swap3A_451], %swap3A_454 {strides = array<i32>} : memref<5x128x128xf32, #tpu.memory_space<vmem>>, vector<1x1x16xf32>,
        %get3A_455 = arith.constant 4 : i32
        %get3A_456 = arith.index_cast %get3A_455 : i32 to index
        %get3A_457 = arith.index_cast %scan3A_343 : i32 to index
        %get3A_458 = arith.constant 112 : index
        %get3A_459 = tpu.vector_load %arg6[%get3A_456, %get3A_457, %get3A_458] {strides = array<i32>} : memref<5x128x128xf32, #tpu.memory_space<vmem>>, vector<1x1x16xf32>,
        %get3A_460 = vector.shape_cast %get3A_459 : vector<1x1x16xf32> to vector<16xf32>
        %mul3A_461 = arith.constant 11.3137083 : f32
        %mul3A_462 = vector.broadcast %mul3A_461 : f32 to vector<16xf32>
        %mul3A_463 = arith.mulf %get3A_460, %mul3A_462 : vector<16xf32>
        %swap3A_464 = arith.constant 4 : i32
        %swap3A_465 = arith.index_cast %swap3A_464 : i32 to index
        %swap3A_466 = arith.index_cast %scan3A_343 : i32 to index
        %swap3A_467 = arith.constant 112 : index
        %swap3A_468 = tpu.vector_load %arg6[%swap3A_465, %swap3A_466, %swap3A_467] {strides = array<i32>} : memref<5x128x128xf32, #tpu.memory_space<vmem>>, vector<1x1x16xf32>,
        %swap3A_469 = vector.shape_cast %swap3A_468 : vector<1x1x16xf32> to vector<16xf32>
        %swap3A_470 = vector.shape_cast %mul3A_463 : vector<16xf32> to vector<1x1x16xf32>
        tpu.vector_store %arg6[%swap3A_465, %swap3A_466, %swap3A_467], %swap3A_470 {strides = array<i32>} : memref<5x128x128xf32, #tpu.memory_space<vmem>>, vector<1x1x16xf32>,
        %scan3A_471 = arith.constant 0 : i32
        %scan3A_472 = arith.constant 1 : i32
        %scan3A_473 = arith.addi %scan3A_343, %scan3A_472 : i32
        %get3A_474 = arith.constant 4 : i32
        %get3A_475 = arith.index_cast %get3A_474 : i32 to index
        %get3A_476 = arith.index_cast %scan3A_473 : i32 to index
        %get3A_477 = arith.constant 0 : index
        %get3A_478 = tpu.vector_load %arg6[%get3A_475, %get3A_476, %get3A_477] {strides = array<i32>} : memref<5x128x128xf32, #tpu.memory_space<vmem>>, vector<1x1x16xf32>,
        %get3A_479 = vector.shape_cast %get3A_478 : vector<1x1x16xf32> to vector<16xf32>
        %mul3A_480 = arith.constant 11.3137083 : f32
        %mul3A_481 = vector.broadcast %mul3A_480 : f32 to vector<16xf32>
        %mul3A_482 = arith.mulf %get3A_479, %mul3A_481 : vector<16xf32>
        %swap3A_483 = arith.constant 4 : i32
        %swap3A_484 = arith.index_cast %swap3A_483 : i32 to index
        %swap3A_485 = arith.index_cast %scan3A_473 : i32 to index
        %swap3A_486 = arith.constant 0 : index
        %swap3A_487 = tpu.vector_load %arg6[%swap3A_484, %swap3A_485, %swap3A_486] {strides = array<i32>} : memref<5x128x128xf32, #tpu.memory_space<vmem>>, vector<1x1x16xf32>,
        %swap3A_488 = vector.shape_cast %swap3A_487 : vector<1x1x16xf32> to vector<16xf32>
        %swap3A_489 = vector.shape_cast %mul3A_482 : vector<16xf32> to vector<1x1x16xf32>
        tpu.vector_store %arg6[%swap3A_484, %swap3A_485, %swap3A_486], %swap3A_489 {strides = array<i32>} : memref<5x128x128xf32, #tpu.memory_space<vmem>>, vector<1x1x16xf32>,
        %get3A_490 = arith.constant 4 : i32
        %get3A_491 = arith.index_cast %get3A_490 : i32 to index
        %get3A_492 = arith.index_cast %scan3A_473 : i32 to index
        %get3A_493 = arith.constant 16 : index
        %get3A_494 = tpu.vector_load %arg6[%get3A_491, %get3A_492, %get3A_493] {strides = array<i32>} : memref<5x128x128xf32, #tpu.memory_space<vmem>>, vector<1x1x16xf32>,
        %get3A_495 = vector.shape_cast %get3A_494 : vector<1x1x16xf32> to vector<16xf32>
        %mul3A_496 = arith.constant 11.3137083 : f32
        %mul3A_497 = vector.broadcast %mul3A_496 : f32 to vector<16xf32>
        %mul3A_498 = arith.mulf %get3A_495, %mul3A_497 : vector<16xf32>
        %swap3A_499 = arith.constant 4 : i32
        %swap3A_500 = arith.index_cast %swap3A_499 : i32 to index
        %swap3A_501 = arith.index_cast %scan3A_473 : i32 to index
        %swap3A_502 = arith.constant 16 : index
        %swap3A_503 = tpu.vector_load %arg6[%swap3A_500, %swap3A_501, %swap3A_502] {strides = array<i32>} : memref<5x128x128xf32, #tpu.memory_space<vmem>>, vector<1x1x16xf32>,
        %swap3A_504 = vector.shape_cast %swap3A_503 : vector<1x1x16xf32> to vector<16xf32>
        %swap3A_505 = vector.shape_cast %mul3A_498 : vector<16xf32> to vector<1x1x16xf32>
        tpu.vector_store %arg6[%swap3A_500, %swap3A_501, %swap3A_502], %swap3A_505 {strides = array<i32>} : memref<5x128x128xf32, #tpu.memory_space<vmem>>, vector<1x1x16xf32>,
        %get3A_506 = arith.constant 4 : i32
        %get3A_507 = arith.index_cast %get3A_506 : i32 to index
        %get3A_508 = arith.index_cast %scan3A_473 : i32 to index
        %get3A_509 = arith.constant 32 : index
        %get3A_510 = tpu.vector_load %arg6[%get3A_507, %get3A_508, %get3A_509] {strides = array<i32>} : memref<5x128x128xf32, #tpu.memory_space<vmem>>, vector<1x1x16xf32>,
        %get3A_511 = vector.shape_cast %get3A_510 : vector<1x1x16xf32> to vector<16xf32>
        %mul3A_512 = arith.constant 11.3137083 : f32
        %mul3A_513 = vector.broadcast %mul3A_512 : f32 to vector<16xf32>
        %mul3A_514 = arith.mulf %get3A_511, %mul3A_513 : vector<16xf32>
        %swap3A_515 = arith.constant 4 : i32
        %swap3A_516 = arith.index_cast %swap3A_515 : i32 to index
        %swap3A_517 = arith.index_cast %scan3A_473 : i32 to index
        %swap3A_518 = arith.constant 32 : index
        %swap3A_519 = tpu.vector_load %arg6[%swap3A_516, %swap3A_517, %swap3A_518] {strides = array<i32>} : memref<5x128x128xf32, #tpu.memory_space<vmem>>, vector<1x1x16xf32>,
        %swap3A_520 = vector.shape_cast %swap3A_519 : vector<1x1x16xf32> to vector<16xf32>
        %swap3A_521 = vector.shape_cast %mul3A_514 : vector<16xf32> to vector<1x1x16xf32>
        tpu.vector_store %arg6[%swap3A_516, %swap3A_517, %swap3A_518], %swap3A_521 {strides = array<i32>} : memref<5x128x128xf32, #tpu.memory_space<vmem>>, vector<1x1x16xf32>,
        %get3A_522 = arith.constant 4 : i32
        %get3A_523 = arith.index_cast %get3A_522 : i32 to index
        %get3A_524 = arith.index_cast %scan3A_473 : i32 to index
        %get3A_525 = arith.constant 48 : index
        %get3A_526 = tpu.vector_load %arg6[%get3A_523, %get3A_524, %get3A_525] {strides = array<i32>} : memref<5x128x128xf32, #tpu.memory_space<vmem>>, vector<1x1x16xf32>,
        %get3A_527 = vector.shape_cast %get3A_526 : vector<1x1x16xf32> to vector<16xf32>
        %mul3A_528 = arith.constant 11.3137083 : f32
        %mul3A_529 = vector.broadcast %mul3A_528 : f32 to vector<16xf32>
        %mul3A_530 = arith.mulf %get3A_527, %mul3A_529 : vector<16xf32>
        %swap3A_531 = arith.constant 4 : i32
        %swap3A_532 = arith.index_cast %swap3A_531 : i32 to index
        %swap3A_533 = arith.index_cast %scan3A_473 : i32 to index
        %swap3A_534 = arith.constant 48 : index
        %swap3A_535 = tpu.vector_load %arg6[%swap3A_532, %swap3A_533, %swap3A_534] {strides = array<i32>} : memref<5x128x128xf32, #tpu.memory_space<vmem>>, vector<1x1x16xf32>,
        %swap3A_536 = vector.shape_cast %swap3A_535 : vector<1x1x16xf32> to vector<16xf32>
        %swap3A_537 = vector.shape_cast %mul3A_530 : vector<16xf32> to vector<1x1x16xf32>
        tpu.vector_store %arg6[%swap3A_532, %swap3A_533, %swap3A_534], %swap3A_537 {strides = array<i32>} : memref<5x128x128xf32, #tpu.memory_space<vmem>>, vector<1x1x16xf32>,
        %get3A_538 = arith.constant 4 : i32
        %get3A_539 = arith.index_cast %get3A_538 : i32 to index
        %get3A_540 = arith.index_cast %scan3A_473 : i32 to index
        %get3A_541 = arith.constant 64 : index
        %get3A_542 = tpu.vector_load %arg6[%get3A_539, %get3A_540, %get3A_541] {strides = array<i32>} : memref<5x128x128xf32, #tpu.memory_space<vmem>>, vector<1x1x16xf32>,
        %get3A_543 = vector.shape_cast %get3A_542 : vector<1x1x16xf32> to vector<16xf32>
        %mul3A_544 = arith.constant 11.3137083 : f32
        %mul3A_545 = vector.broadcast %mul3A_544 : f32 to vector<16xf32>
        %mul3A_546 = arith.mulf %get3A_543, %mul3A_545 : vector<16xf32>
        %swap3A_547 = arith.constant 4 : i32
        %swap3A_548 = arith.index_cast %swap3A_547 : i32 to index
        %swap3A_549 = arith.index_cast %scan3A_473 : i32 to index
        %swap3A_550 = arith.constant 64 : index
        %swap3A_551 = tpu.vector_load %arg6[%swap3A_548, %swap3A_549, %swap3A_550] {strides = array<i32>} : memref<5x128x128xf32, #tpu.memory_space<vmem>>, vector<1x1x16xf32>,
        %swap3A_552 = vector.shape_cast %swap3A_551 : vector<1x1x16xf32> to vector<16xf32>
        %swap3A_553 = vector.shape_cast %mul3A_546 : vector<16xf32> to vector<1x1x16xf32>
        tpu.vector_store %arg6[%swap3A_548, %swap3A_549, %swap3A_550], %swap3A_553 {strides = array<i32>} : memref<5x128x128xf32, #tpu.memory_space<vmem>>, vector<1x1x16xf32>,
        %get3A_554 = arith.constant 4 : i32
        %get3A_555 = arith.index_cast %get3A_554 : i32 to index
        %get3A_556 = arith.index_cast %scan3A_473 : i32 to index
        %get3A_557 = arith.constant 80 : index
        %get3A_558 = tpu.vector_load %arg6[%get3A_555, %get3A_556, %get3A_557] {strides = array<i32>} : memref<5x128x128xf32, #tpu.memory_space<vmem>>, vector<1x1x16xf32>,
        %get3A_559 = vector.shape_cast %get3A_558 : vector<1x1x16xf32> to vector<16xf32>
        %mul3A_560 = arith.constant 11.3137083 : f32
        %mul3A_561 = vector.broadcast %mul3A_560 : f32 to vector<16xf32>
        %mul3A_562 = arith.mulf %get3A_559, %mul3A_561 : vector<16xf32>
        %swap3A_563 = arith.constant 4 : i32
        %swap3A_564 = arith.index_cast %swap3A_563 : i32 to index
        %swap3A_565 = arith.index_cast %scan3A_473 : i32 to index
        %swap3A_566 = arith.constant 80 : index
        %swap3A_567 = tpu.vector_load %arg6[%swap3A_564, %swap3A_565, %swap3A_566] {strides = array<i32>} : memref<5x128x128xf32, #tpu.memory_space<vmem>>, vector<1x1x16xf32>,
        %swap3A_568 = vector.shape_cast %swap3A_567 : vector<1x1x16xf32> to vector<16xf32>
        %swap3A_569 = vector.shape_cast %mul3A_562 : vector<16xf32> to vector<1x1x16xf32>
        tpu.vector_store %arg6[%swap3A_564, %swap3A_565, %swap3A_566], %swap3A_569 {strides = array<i32>} : memref<5x128x128xf32, #tpu.memory_space<vmem>>, vector<1x1x16xf32>,
        %get3A_570 = arith.constant 4 : i32
        %get3A_571 = arith.index_cast %get3A_570 : i32 to index
        %get3A_572 = arith.index_cast %scan3A_473 : i32 to index
        %get3A_573 = arith.constant 96 : index
        %get3A_574 = tpu.vector_load %arg6[%get3A_571, %get3A_572, %get3A_573] {strides = array<i32>} : memref<5x128x128xf32, #tpu.memory_space<vmem>>, vector<1x1x16xf32>,
        %get3A_575 = vector.shape_cast %get3A_574 : vector<1x1x16xf32> to vector<16xf32>
        %mul3A_576 = arith.constant 11.3137083 : f32
        %mul3A_577 = vector.broadcast %mul3A_576 : f32 to vector<16xf32>
        %mul3A_578 = arith.mulf %get3A_575, %mul3A_577 : vector<16xf32>
        %swap3A_579 = arith.constant 4 : i32
        %swap3A_580 = arith.index_cast %swap3A_579 : i32 to index
        %swap3A_581 = arith.index_cast %scan3A_473 : i32 to index
        %swap3A_582 = arith.constant 96 : index
        %swap3A_583 = tpu.vector_load %arg6[%swap3A_580, %swap3A_581, %swap3A_582] {strides = array<i32>} : memref<5x128x128xf32, #tpu.memory_space<vmem>>, vector<1x1x16xf32>,
        %swap3A_584 = vector.shape_cast %swap3A_583 : vector<1x1x16xf32> to vector<16xf32>
        %swap3A_585 = vector.shape_cast %mul3A_578 : vector<16xf32> to vector<1x1x16xf32>
        tpu.vector_store %arg6[%swap3A_580, %swap3A_581, %swap3A_582], %swap3A_585 {strides = array<i32>} : memref<5x128x128xf32, #tpu.memory_space<vmem>>, vector<1x1x16xf32>,
        %get3A_586 = arith.constant 4 : i32
        %get3A_587 = arith.index_cast %get3A_586 : i32 to index
        %get3A_588 = arith.index_cast %scan3A_473 : i32 to index
        %get3A_589 = arith.constant 112 : index
        %get3A_590 = tpu.vector_load %arg6[%get3A_587, %get3A_588, %get3A_589] {strides = array<i32>} : memref<5x128x128xf32, #tpu.memory_space<vmem>>, vector<1x1x16xf32>,
        %get3A_591 = vector.shape_cast %get3A_590 : vector<1x1x16xf32> to vector<16xf32>
        %mul3A_592 = arith.constant 11.3137083 : f32
        %mul3A_593 = vector.broadcast %mul3A_592 : f32 to vector<16xf32>
        %mul3A_594 = arith.mulf %get3A_591, %mul3A_593 : vector<16xf32>
        %swap3A_595 = arith.constant 4 : i32
        %swap3A_596 = arith.index_cast %swap3A_595 : i32 to index
        %swap3A_597 = arith.index_cast %scan3A_473 : i32 to index
        %swap3A_598 = arith.constant 112 : index
        %swap3A_599 = tpu.vector_load %arg6[%swap3A_596, %swap3A_597, %swap3A_598] {strides = array<i32>} : memref<5x128x128xf32, #tpu.memory_space<vmem>>, vector<1x1x16xf32>,
        %swap3A_600 = vector.shape_cast %swap3A_599 : vector<1x1x16xf32> to vector<16xf32>
        %swap3A_601 = vector.shape_cast %mul3A_594 : vector<16xf32> to vector<1x1x16xf32>
        tpu.vector_store %arg6[%swap3A_596, %swap3A_597, %swap3A_598], %swap3A_601 {strides = array<i32>} : memref<5x128x128xf32, #tpu.memory_space<vmem>>, vector<1x1x16xf32>,
        %scan3A_602 = arith.constant 0 : i32
        scf.yield %scan3A_602 : i32
      }
      %scan3A_326 = arith.constant 128 : i32
      %add3A_327 = arith.addi %mul3A_2, %add3A_301 : i32
      %mul3A_328 = arith.constant 128 : i32
      %mul3A_329 = arith.muli %add3A_327, %mul3A_328 : i32
      %dma_start3A_330 = arith.constant 0 : i32
      %dma_start3A_331 = arith.constant 0 : i32
      %dma_start3A_332 = tpu.memref_slice %arg6[%scan3A_39, %dma_start3A_330, %dma_start3A_331] : memref<5x128x128xf32, #tpu.memory_space<vmem>> -> memref<1x128x128xf32, #tpu.memory_space<vmem>>
      %dma_start3A_333 = tpu.memref_squeeze %dma_start3A_332 : memref<1x128x128xf32, #tpu.memory_space<vmem>> -> memref<128x128xf32, #tpu.memory_space<vmem>>
      %dma_start3A_334 = arith.constant 0 : i32
      %dma_start3A_335 = tpu.memref_slice %arg4[%mul3A_329, %dma_start3A_334] : memref<819200x128xf32, #tpu.memory_space<hbm>> -> memref<128x128xf32, #tpu.memory_space<hbm>>
      %dma_start3A_336 = arith.constant 0 : i32
      %dma_start3A_337 = tpu.memref_slice %arg4[%mul3A_329, %dma_start3A_336] : memref<819200x128xf32, #tpu.memory_space<hbm>> -> memref<128x128xf32, #tpu.memory_space<hbm>>
      %dma_start3A_338 = arith.constant 0 : i32
      %dma_start3A_339 = arith.constant 0 : i32
      %dma_start3A_340 = tpu.memref_slice %arg6[%scan3A_39, %dma_start3A_338, %dma_start3A_339] : memref<5x128x128xf32, #tpu.memory_space<vmem>> -> memref<1x128x128xf32, #tpu.memory_space<vmem>>
      %dma_start3A_341 = tpu.memref_squeeze %dma_start3A_340 : memref<1x128x128xf32, #tpu.memory_space<vmem>> -> memref<128x128xf32, #tpu.memory_space<vmem>>
      tpu.enqueue_dma source(%dma_start3A_341 : memref<128x128xf32, #tpu.memory_space<vmem>>) target(%dma_start3A_337 : memref<128x128xf32, #tpu.memory_space<hbm>>) target_semaphore(%arg16 : memref<!tpu.dma_semaphore, #tpu.memory_space<semaphore_mem>>)
      %scan3A_342 = arith.constant 0 : i32
      scf.yield %scan3A_342 : i32
    }
    %scan3A_48 = arith.constant 40 : i32
    %dma_wait3A = arith.constant 0 : i32
    %dma_wait3A_49 = arith.constant 0 : i32
    %dma_wait3A_50 = arith.constant 0 : i32
    %dma_wait3A_51 = tpu.memref_slice %arg6[%dma_wait3A, %dma_wait3A_49, %dma_wait3A_50] : memref<5x128x128xf32, #tpu.memory_space<vmem>> -> memref<1x128x128xf32, #tpu.memory_space<vmem>>
    %dma_wait3A_52 = tpu.memref_squeeze %dma_wait3A_51 : memref<1x128x128xf32, #tpu.memory_space<vmem>> -> memref<128x128xf32, #tpu.memory_space<vmem>>
    %dma_wait3A_53 = arith.constant 0 : i32
    %dma_wait3A_54 = arith.constant 0 : i32
    %dma_wait3A_55 = tpu.memref_slice %arg4[%dma_wait3A_53, %dma_wait3A_54] : memref<819200x128xf32, #tpu.memory_space<hbm>> -> memref<128x128xf32, #tpu.memory_space<hbm>>
    %dma_wait3A_56 = arith.constant 0 : i32
    %dma_wait3A_57 = arith.constant 0 : i32
    %dma_wait3A_58 = tpu.memref_slice %arg4[%dma_wait3A_56, %dma_wait3A_57] : memref<819200x128xf32, #tpu.memory_space<hbm>> -> memref<128x128xf32, #tpu.memory_space<hbm>>
    %dma_wait3A_59 = arith.constant 0 : i32
    %dma_wait3A_60 = arith.constant 0 : i32
    %dma_wait3A_61 = tpu.memref_slice %arg6[%dma_wait3A, %dma_wait3A_59, %dma_wait3A_60] : memref<5x128x128xf32, #tpu.memory_space<vmem>> -> memref<1x128x128xf32, #tpu.memory_space<vmem>>
    %dma_wait3A_62 = tpu.memref_squeeze %dma_wait3A_61 : memref<1x128x128xf32, #tpu.memory_space<vmem>> -> memref<128x128xf32, #tpu.memory_space<vmem>>
    tpu.wait_dma2 semaphore(%arg12 : memref<!tpu.dma_semaphore, #tpu.memory_space<semaphore_mem>>) src(%dma_wait3A_62 : memref<128x128xf32, #tpu.memory_space<vmem>>) dst(%dma_wait3A_58 : memref<128x128xf32, #tpu.memory_space<hbm>>)
    %dma_wait3A_63 = arith.constant 1 : i32
    %dma_wait3A_64 = arith.constant 0 : i32
    %dma_wait3A_65 = arith.constant 0 : i32
    %dma_wait3A_66 = tpu.memref_slice %arg6[%dma_wait3A_63, %dma_wait3A_64, %dma_wait3A_65] : memref<5x128x128xf32, #tpu.memory_space<vmem>> -> memref<1x128x128xf32, #tpu.memory_space<vmem>>
    %dma_wait3A_67 = tpu.memref_squeeze %dma_wait3A_66 : memref<1x128x128xf32, #tpu.memory_space<vmem>> -> memref<128x128xf32, #tpu.memory_space<vmem>>
    %dma_wait3A_68 = arith.constant 0 : i32
    %dma_wait3A_69 = arith.constant 0 : i32
    %dma_wait3A_70 = tpu.memref_slice %arg4[%dma_wait3A_68, %dma_wait3A_69] : memref<819200x128xf32, #tpu.memory_space<hbm>> -> memref<128x128xf32, #tpu.memory_space<hbm>>
    %dma_wait3A_71 = arith.constant 0 : i32
    %dma_wait3A_72 = arith.constant 0 : i32
    %dma_wait3A_73 = tpu.memref_slice %arg4[%dma_wait3A_71, %dma_wait3A_72] : memref<819200x128xf32, #tpu.memory_space<hbm>> -> memref<128x128xf32, #tpu.memory_space<hbm>>
    %dma_wait3A_74 = arith.constant 0 : i32
    %dma_wait3A_75 = arith.constant 0 : i32
    %dma_wait3A_76 = tpu.memref_slice %arg6[%dma_wait3A_63, %dma_wait3A_74, %dma_wait3A_75] : memref<5x128x128xf32, #tpu.memory_space<vmem>> -> memref<1x128x128xf32, #tpu.memory_space<vmem>>
    %dma_wait3A_77 = tpu.memref_squeeze %dma_wait3A_76 : memref<1x128x128xf32, #tpu.memory_space<vmem>> -> memref<128x128xf32, #tpu.memory_space<vmem>>
    tpu.wait_dma2 semaphore(%arg13 : memref<!tpu.dma_semaphore, #tpu.memory_space<semaphore_mem>>) src(%dma_wait3A_77 : memref<128x128xf32, #tpu.memory_space<vmem>>) dst(%dma_wait3A_73 : memref<128x128xf32, #tpu.memory_space<hbm>>)
    %dma_wait3A_78 = arith.constant 2 : i32
    %dma_wait3A_79 = arith.constant 0 : i32
    %dma_wait3A_80 = arith.constant 0 : i32
    %dma_wait3A_81 = tpu.memref_slice %arg6[%dma_wait3A_78, %dma_wait3A_79, %dma_wait3A_80] : memref<5x128x128xf32, #tpu.memory_space<vmem>> -> memref<1x128x128xf32, #tpu.memory_space<vmem>>
    %dma_wait3A_82 = tpu.memref_squeeze %dma_wait3A_81 : memref<1x128x128xf32, #tpu.memory_space<vmem>> -> memref<128x128xf32, #tpu.memory_space<vmem>>
    %dma_wait3A_83 = arith.constant 0 : i32
    %dma_wait3A_84 = arith.constant 0 : i32
    %dma_wait3A_85 = tpu.memref_slice %arg4[%dma_wait3A_83, %dma_wait3A_84] : memref<819200x128xf32, #tpu.memory_space<hbm>> -> memref<128x128xf32, #tpu.memory_space<hbm>>
    %dma_wait3A_86 = arith.constant 0 : i32
    %dma_wait3A_87 = arith.constant 0 : i32
    %dma_wait3A_88 = tpu.memref_slice %arg4[%dma_wait3A_86, %dma_wait3A_87] : memref<819200x128xf32, #tpu.memory_space<hbm>> -> memref<128x128xf32, #tpu.memory_space<hbm>>
    %dma_wait3A_89 = arith.constant 0 : i32
    %dma_wait3A_90 = arith.constant 0 : i32
    %dma_wait3A_91 = tpu.memref_slice %arg6[%dma_wait3A_78, %dma_wait3A_89, %dma_wait3A_90] : memref<5x128x128xf32, #tpu.memory_space<vmem>> -> memref<1x128x128xf32, #tpu.memory_space<vmem>>
    %dma_wait3A_92 = tpu.memref_squeeze %dma_wait3A_91 : memref<1x128x128xf32, #tpu.memory_space<vmem>> -> memref<128x128xf32, #tpu.memory_space<vmem>>
    tpu.wait_dma2 semaphore(%arg14 : memref<!tpu.dma_semaphore, #tpu.memory_space<semaphore_mem>>) src(%dma_wait3A_92 : memref<128x128xf32, #tpu.memory_space<vmem>>) dst(%dma_wait3A_88 : memref<128x128xf32, #tpu.memory_space<hbm>>)
    %dma_wait3A_93 = arith.constant 3 : i32
    %dma_wait3A_94 = arith.constant 0 : i32
    %dma_wait3A_95 = arith.constant 0 : i32
    %dma_wait3A_96 = tpu.memref_slice %arg6[%dma_wait3A_93, %dma_wait3A_94, %dma_wait3A_95] : memref<5x128x128xf32, #tpu.memory_space<vmem>> -> memref<1x128x128xf32, #tpu.memory_space<vmem>>
    %dma_wait3A_97 = tpu.memref_squeeze %dma_wait3A_96 : memref<1x128x128xf32, #tpu.memory_space<vmem>> -> memref<128x128xf32, #tpu.memory_space<vmem>>
    %dma_wait3A_98 = arith.constant 0 : i32
    %dma_wait3A_99 = arith.constant 0 : i32
    %dma_wait3A_100 = tpu.memref_slice %arg4[%dma_wait3A_98, %dma_wait3A_99] : memref<819200x128xf32, #tpu.memory_space<hbm>> -> memref<128x128xf32, #tpu.memory_space<hbm>>
    %dma_wait3A_101 = arith.constant 0 : i32
    %dma_wait3A_102 = arith.constant 0 : i32
    %dma_wait3A_103 = tpu.memref_slice %arg4[%dma_wait3A_101, %dma_wait3A_102] : memref<819200x128xf32, #tpu.memory_space<hbm>> -> memref<128x128xf32, #tpu.memory_space<hbm>>
    %dma_wait3A_104 = arith.constant 0 : i32
    %dma_wait3A_105 = arith.constant 0 : i32
    %dma_wait3A_106 = tpu.memref_slice %arg6[%dma_wait3A_93, %dma_wait3A_104, %dma_wait3A_105] : memref<5x128x128xf32, #tpu.memory_space<vmem>> -> memref<1x128x128xf32, #tpu.memory_space<vmem>>
    %dma_wait3A_107 = tpu.memref_squeeze %dma_wait3A_106 : memref<1x128x128xf32, #tpu.memory_space<vmem>> -> memref<128x128xf32, #tpu.memory_space<vmem>>
    tpu.wait_dma2 semaphore(%arg15 : memref<!tpu.dma_semaphore, #tpu.memory_space<semaphore_mem>>) src(%dma_wait3A_107 : memref<128x128xf32, #tpu.memory_space<vmem>>) dst(%dma_wait3A_103 : memref<128x128xf32, #tpu.memory_space<hbm>>)
    %dma_wait3A_108 = arith.constant 4 : i32
    %dma_wait3A_109 = arith.constant 0 : i32
    %dma_wait3A_110 = arith.constant 0 : i32
    %dma_wait3A_111 = tpu.memref_slice %arg6[%dma_wait3A_108, %dma_wait3A_109, %dma_wait3A_110] : memref<5x128x128xf32, #tpu.memory_space<vmem>> -> memref<1x128x128xf32, #tpu.memory_space<vmem>>
    %dma_wait3A_112 = tpu.memref_squeeze %dma_wait3A_111 : memref<1x128x128xf32, #tpu.memory_space<vmem>> -> memref<128x128xf32, #tpu.memory_space<vmem>>
    %dma_wait3A_113 = arith.constant 0 : i32
    %dma_wait3A_114 = arith.constant 0 : i32
    %dma_wait3A_115 = tpu.memref_slice %arg4[%dma_wait3A_113, %dma_wait3A_114] : memref<819200x128xf32, #tpu.memory_space<hbm>> -> memref<128x128xf32, #tpu.memory_space<hbm>>
    %dma_wait3A_116 = arith.constant 0 : i32
    %dma_wait3A_117 = arith.constant 0 : i32
    %dma_wait3A_118 = tpu.memref_slice %arg4[%dma_wait3A_116, %dma_wait3A_117] : memref<819200x128xf32, #tpu.memory_space<hbm>> -> memref<128x128xf32, #tpu.memory_space<hbm>>
    %dma_wait3A_119 = arith.constant 0 : i32
    %dma_wait3A_120 = arith.constant 0 : i32
    %dma_wait3A_121 = tpu.memref_slice %arg6[%dma_wait3A_108, %dma_wait3A_119, %dma_wait3A_120] : memref<5x128x128xf32, #tpu.memory_space<vmem>> -> memref<1x128x128xf32, #tpu.memory_space<vmem>>
    %dma_wait3A_122 = tpu.memref_squeeze %dma_wait3A_121 : memref<1x128x128xf32, #tpu.memory_space<vmem>> -> memref<128x128xf32, #tpu.memory_space<vmem>>
    tpu.wait_dma2 semaphore(%arg16 : memref<!tpu.dma_semaphore, #tpu.memory_space<semaphore_mem>>) src(%dma_wait3A_122 : memref<128x128xf32, #tpu.memory_space<vmem>>) dst(%dma_wait3A_118 : memref<128x128xf32, #tpu.memory_space<hbm>>)
    return
  }
}

</mosaic_0001>

<sc_bundles>
// kernel: _gather_scale.3.cloned.1.call-start
scs
__scs_entry_jumppad:
0x0: {  	(pc) =	sbr.rel $0x88, $3  }
0x1: {  	(tag) =	ssettag $0x0;
	lr =	simm.s32 $0x1  }
0x2: {  	[smem:$0x3F9F] =	sst lr;
	_ =	strace $0xD0000000  }
0x3: {  	_ = 	snop  }
0x4: {  	_ = 	snop  }
0x5: {  	_ = 	snop  }
0x6: {  	_ = 	snop  }
0x7: {  	_ = 	snop  }
__scs_overlays_trampoline_lowered:
0x8: {  	[smem:$0x3FAE] =	sst s0  }
0x9: {  	[smem:$0x3FAF] =	sst s1  }
0xa: {  	[smem:$0x3FB0] =	sst s2  }
0xb: {  	[smem:$0x3FB1] =	sst s3  }
0xc: {  	[smem:$0x3FB2] =	sst s4  }
0xd: {  	[smem:$0x3FB3] =	sst s5  }
0xe: {  	[smem:$0x3FB4] =	sst s6  }
0xf: {  	[smem:$0x3FB5] =	sst s7  }
0x10: {  	[smem:$0x3FB6] =	sst s8  }
0x11: {  	[smem:$0x3FB7] =	sst s9;
	s0 =	simm.s32 @!p0 $0x0  }
0x12: {  	s1 =	sld [smem:$0x3F9D];
	s0 =	simm.s32 @p0 $0x1  }
0x13: {  	[smem:$0x3FB8] =	sst s0;
	s0 =	simm.s32 @!p1 $0x0  }
0x14: {  	s2 =	sld [smem:$0x3F9C];
	s0 =	simm.s32 @p1 $0x1  }
0x15: {  	[smem:$0x3FB9] =	sst s0;
	s0 =	simm.s32 @!p2 $0x0  }
0x16: {  	s3 =	sld [smem:$0x3FDB];
	s0 =	simm.s32 @p2 $0x1  }
0x17: {  	s4 =	simm.s32 $0x1BF5;
	[smem:$0x3FBB] =	sst s0  }
0x18: {  	s0 =	sld [smem:$0x3F9E];
	_ =	swait.ge [sflag:s4], $0x0  }
0x19: {  	s7 =	sld [smem:$0x3F9F]  }
0x1a: {  	s8 =	sadd.s32 $0xFFFFE003, lr  }
0x1b: {  	s9 =	sadd.s32 $0xFFFFFEF7, lr;
	s5 =	simm.s32 $0xFFFFFFFF;
	p2 =	slt.u32 s8, $0xFFFFF086  }
0x1c: {  	p1 =	slt.u32 s9, $0xF7A;
	s5 =	simm.s32 @!p2 $0x0  }
0x1d: {  	s5 =	simm.s32 @p1 $0x1;
	p0 =	seq.s32 s7, s2  }
0x1e: {  	s7 =	smul.u32 @!p0 $0xF7A, s2;
	p2 =	seq.s32 @!p0 s5, $0x0  }
0x1f: {  	s9 =	smul.u32 $0xF7A, s1;
	s8 =	simm.s32 @!p0 $0x1BF5;
	p2 =	por !p2, p0  }
0x20: {  	[sflag:s8] =	ssyncset.s32 @!p0 $0xFFFFF086;
	s6 =	sadd.s32 @!p0 s3, s7;
	s7 =	simm.s32 @!p0 $0x108  }
0x21: {  	s3 =	sadd.s32 s3, s9;
	s6 =	sadd.s32 @!p0 $0x88, s6;
	s7 =	simm.s32 @p2 $0x1082  }
0x22: {  	[simem:s7], [sflag:s8] =	dma.local @!p0 [hbm:s6], $0xF7A  }
0x23: {  	s9 =	sor.u32 $0xD0000000, s2;
	s6 =	simm.s32 $0x108;
	_ =	swait.ge @!p0 [sflag:s8], $0x0  }
0x24: {  	s3 =	sadd.s32 $0x88, s3;
	s6 =	simm.s32 @!p1 $0x1082;
	[sflag:s4] =	ssyncset.s32 $0xFFFFF086  }
0x25: {  	[simem:s6], [sflag:s4] =	dma.local [hbm:s3], $0xF7A  }
0x26: {  	[smem:$0x3F9F] =	sst s1;
	(tag) =	ssettag s2;
	_ =	strace s9  }
0x27: {  	s1 =	sld [smem:$0x3FAF]  }
0x28: {  	s2 =	sld [smem:$0x3FB0]  }
0x29: {  	s4 =	sld [smem:$0x3FB2]  }
0x2a: {  	p0 =	seq.s32 s5, $0x0;
	s5 =	sld [smem:$0x3FB3]  }
0x2b: {  	s6 =	sld [smem:$0x3FB4]  }
0x2c: {  	s7 =	sld [smem:$0x3FB5]  }
0x2d: {  	s3 =	simm.s32 $0x108;
	s8 =	sld [smem:$0x3FB6]  }
0x2e: {  	s3 =	simm.s32 @!p0 $0x1082;
	s9 =	sld [smem:$0x3FB7]  }
0x2f: {  	lr =	sadd.s32 s0, s3;
	s0 =	sld [smem:$0x3FAE]  }
0x30: {  	s3 =	sld [smem:$0x3FB1]  }
0x31: {  	[smem:$0x3FBA] =	sst s10  }
0x32: {  	s10 =	sld [smem:$0x3FB8];
	_ =	sdelay $0x3  }
0x33: {  	p0 =	seq.s32 s10, $0x1;
	s10 =	sld [smem:$0x3FBA];
	_ =	sdelay $0x3  }
0x34: {  	[smem:$0x3FBA] =	sst s10  }
0x35: {  	s10 =	sld [smem:$0x3FB9];
	_ =	sdelay $0x3  }
0x36: {  	p1 =	seq.s32 s10, $0x1;
	s10 =	sld [smem:$0x3FBA];
	_ =	sdelay $0x3  }
0x37: {  	[smem:$0x3FBA] =	sst s10  }
0x38: {  	s10 =	sld [smem:$0x3FBB]  }
0x39: {  	_ = 	snop;
	(pc) =	sbr.ind lr, $3  }
0x3a: {  	_ = 	snop  }
0x3b: {  	_ = 	snop  }
0x3c: {  	p2 =	seq.s32 s10, $0x1;
	s10 =	sld [smem:$0x3FBA]  }
0x3d: {  	_ =	shalt  }
0x3e: {  	_ =	shalt  }
0x3f: {  	_ =	shalt  }
0x40: {  	_ =	shalt  }
0x41: {  	_ =	shalt  }
0x42: {  	_ =	shalt  }
0x43: {  	_ =	shalt  }
0x44: {  	_ =	shalt  }
0x45: {  	_ =	shalt  }
0x46: {  	_ =	shalt  }
0x47: {  	_ =	shalt  }
0x48: {  	_ =	shalt  }
0x49: {  	_ =	shalt  }
0x4a: {  	_ =	shalt  }
0x4b: {  	_ =	shalt  }
0x4c: {  	_ =	shalt  }
0x4d: {  	_ =	shalt  }
0x4e: {  	_ =	shalt  }
0x4f: {  	_ =	shalt  }
0x50: {  	_ =	shalt  }
0x51: {  	_ =	shalt  }
0x52: {  	_ =	shalt  }
0x53: {  	_ =	shalt  }
0x54: {  	_ =	shalt  }
0x55: {  	_ =	shalt  }
0x56: {  	_ =	shalt  }
0x57: {  	_ =	shalt  }
0x58: {  	_ =	shalt  }
0x59: {  	_ =	shalt  }
0x5a: {  	_ =	shalt  }
0x5b: {  	_ =	shalt  }
0x5c: {  	_ =	shalt  }
0x5d: {  	_ =	shalt  }
0x5e: {  	_ =	shalt  }
0x5f: {  	_ =	shalt  }
0x60: {  	_ =	shalt  }
0x61: {  	_ =	shalt  }
0x62: {  	_ =	shalt  }
0x63: {  	_ =	shalt  }
0x64: {  	_ =	shalt  }
0x65: {  	_ =	shalt  }
0x66: {  	_ =	shalt  }
0x67: {  	_ =	shalt  }
0x68: {  	_ =	shalt  }
0x69: {  	_ =	shalt  }
0x6a: {  	_ =	shalt  }
0x6b: {  	_ =	shalt  }
0x6c: {  	_ =	shalt  }
0x6d: {  	_ =	shalt  }
0x6e: {  	_ =	shalt  }
0x6f: {  	_ =	shalt  }
0x70: {  	_ =	shalt  }
0x71: {  	_ =	shalt  }
0x72: {  	_ =	shalt  }
0x73: {  	_ =	shalt  }
0x74: {  	_ =	shalt  }
0x75: {  	_ =	shalt  }
0x76: {  	_ =	shalt  }
0x77: {  	_ =	shalt  }
0x78: {  	_ =	shalt  }
0x79: {  	_ =	shalt  }
0x7a: {  	_ =	shalt  }
0x7b: {  	_ =	shalt  }
0x7c: {  	_ =	shalt  }
0x7d: {  	_ =	shalt  }
0x7e: {  	_ =	shalt  }
0x7f: {  	_ =	shalt  }
0x80: {  	_ =	shalt  }
0x81: {  	_ =	shalt  }
0x82: {  	_ =	shalt  }
0x83: {  	_ =	shalt  }
0x84: {  	_ =	shalt  }
0x85: {  	_ =	shalt  }
0x86: {  	_ =	shalt  }
0x87: {  	_ =	shalt  }
.Lfunc_end0:
.L_simem_size_0:
called_computation_lowered:
.L_overlay_start_0:
0x88: {  	s2 =	sld [smem:$0x3FD9]  }
0x89: {  	s3 =	sld [smem:$0x3FFE];
	_ =	sdelay $0x1  }
0x8a: {  	s1 =	srdreg.scid  }
0x8b: {  	s0 =	sand.u32 $0x1, s1  }
0x8c: {  	s18 =	sshll.u32 s0, $0xA;
	s2 =	sadd.s32 s3, s2  }
0x8d: {  	s2 =	sadd.s32 s2, s18  }
0x8e: {  	[smem:$0x3FC6] =	sst s2  }
0x8f: {  	_ = 	snop  }
0x90: {  	s2 =	sld [smem:$0x3FC9]  }
0x91: {  	s19 =	sld [smem:$0x3FC8]  }
0x92: {  	s4 =	sld [smem:$0x3FD0];
	(tm) =	ssettm $0x1  }
0x93: {  	s5 =	sld [smem:$0x3FFB];
	_ =	sdelay $0x3  }
0x94: {  	_ =	strace s5  }
0x95: {  	s5 =	sld [smem:$0x3FFC];
	_ =	sdelay $0x3  }
0x96: {  	_ =	strace s5  }
0x97: {  	s5 =	sld [smem:$0x3FFD];
	_ =	sdelay $0x3  }
0x98: {  	_ =	strace s5  }
0x99: {  	_ =	strace $0x8FFFFFFF  }
0x9a: {  	s20 =	sld [smem:$0x3FDB];
	_ =	sdelay $0x1  }
0x9b: {  	s6 =	simm.s32 $_scs_section_size  }
0x9c: {  	s7 =	simm.s32 $_size__tile_overlayer_lowered;
	s8 =	simm.s32 $_tile_overlayer_lowered  }
0x9d: {  	s23 =	simm.s32 $0x1BFF;
	s22 =	sshll.u32 s8, $0x1;
	s5 =	sadd.s32 s6, s20  }
0x9e: {  	s9 =	simm.s32 $0x0;
	s21 =	sshll.u32 s7, $0x1;
	s7 =	sadd.s32 s22, s5  }
0x9f: {  	[timem:s9], [sflag:s23] =	dma.local [hbm:s7], s21  }
0xa0: {  	_ =	swait.ge [sflag:s23], s21  }
0xa1: {  	s6 =	ssub.s32 $0x0, s21;
	[sflag:s23] =	ssyncset.done $0x0  }
0xa2: {  	[sflag:s23] =	ssyncadd.s32 s6;
	_ =	sdelay $0x1  }
0xa3: {  	s24 =	simm.s32 $0x1B8B  }
0xa4: {  	_ =	swait.ge [sflag:s24], $0x1  }
0xa5: {  	[sflag:s24] =	ssyncset.done $0x0  }
0xa6: {  	s25 =	simm.s32 $0x1B8E;
	[sflag:s24] =	ssyncadd.s32 $0xFFFFFFFF  }
0xa7: {  	s26 =	simm.s32 $execute0_lowered;
	[smem:$0x3FD2] =	sst s25  }
0xa8: {  	s6 =	sshll.u32 s26, $0x1;
	_ =	strace $0x80000046;
	[dreg:$0x1] =	wrdreg $0xFFFFFFFF  }
0xa9: {  	s28 =	simm.s32 $_size_execute0_lowered;
	s5 =	sadd.s32 s5, s6;
	[dreg:$0x0] =	wrdreg $0x0  }
0xaa: {  	s6 =	sshll.u32 s28, $0x1;
	[dreg:$0x2] =	wrdreg s5  }
0xab: {  	[dreg:$0x3] =	wrdreg s6  }
0xac: {  	[dreg:$0x4] =	wrdreg $0xC0  }
0xad: {  	_ =	task [dreg:s9], $0x5FFFF  }
0xae: {  	[dreg:$0x1] =	wrdreg $0xFFFFFFFF  }
0xaf: {  	[dreg:$0x0] =	wrdreg $0x60  }
0xb0: {  	[dreg:$0x2] =	wrdreg s19  }
0xb1: {  	[dreg:$0x3] =	wrdreg s2  }
0xb2: {  	[dreg:$0x4] =	wrdreg s4  }
0xb3: {  	[dreg:$0x5] =	wrdreg $0x9  }
0xb4: {  	_ =	task.clear_ibuf [dreg:s9], $0x6FFFF;
	_ =	strace $0x90000046  }
0xb5: {  	s29 =	simm.s32 $0x9;
	_ =	strace $0x80000048  }
0xb6: {  	_ =	swait.ge [sflag:s29], $0x1  }
0xb7: {  	[sflag:s29] =	ssyncadd.s32 $0xFFFFFFFF  }
0xb8: {  	_ =	strace $0x90000048  }
0xb9: {  	_ =	sfence  }
0xba: {  	s30 =	sld [smem:$0x0];
	_ =	sdelay $0x2  }
0xbb: {  	s31 =	sshll.u32 s1, $0xD;
	s1 =	sshrl.u32 s1, $0x2  }
0xbc: {  	s3 =	sand.u32 $0x4000, s31;
	s1 =	sadd.s32 s1, s30  }
0xbd: {  	s0 =	sor.u32 s3, s0;
	s1 =	sshll.u32 s1, $0x11  }
0xbe: {  	s0 =	sor.u32 s1, s0  }
0xbf: {  	s0 =	sadd.s32 $0x8F2B, s0  }
0xc0: {  	[sflag:s0] =	ssyncadd.remote.s32 $0x1  }
0xc1: {  	_ =	sfence.sel $0xFFFF  }
0xc2: {  	[dreg:$0x0] =	wrdreg $0xFFFFFFFF;
	(pc) =	sbr.abs _section_cstart, $3  }
0xc3: {  	[dreg:$0x1] =	wrdreg $0xFFFFFFFF  }
0xc4: {  	_ =	task.clear_ibuf [dreg:s9], $0x2FFFF;
	_ =	strace $0x9FFFFFFF  }
0xc5: {  	(tm) =	ssettm $0x7FFFFFFF  }
tec
execute0_lowered:
.L_overlay_start_1:
0x0: {  	(tag) =	ssettag $0x1  }
0x1: {  	s1 =	rddreg [dreg:$0x0]  }
0x2: {  	s0 =	srdreg.scid;
	s3 =	stileid.u32  }
0x3: {  	s2 =	rddreg [dreg:$0x1];
	s11 =	simm.s32 $0x80;
	s12 =	simm.s32 $0x6400  }
0x4: {  	s13 =	simm.s32 $0xA400;
	s15 =	simm.s32 $0xE400;
	s16 =	simm.s32 $0x12400  }
0x5: {  	s17 =	simm.s32 $0x1;
	s18 =	simm.s32 $0x16400;
	s19 =	simm.s32 $0x2  }
0x6: {  	s20 =	simm.s32 $0x3;
	s21 =	simm.s32 $0x4;
	s22 =	simm.s32 $0x5  }
0x7: {  	s23 =	simm.s32 $0x6;
	s0 =	sand.u32 $0x1, s0;
	s4 =	sshll.u32 s3, $0x1  }
0x8: {  	s24 =	simm.s32 $0x7;
	s25 =	simm.s32 $0x8;
	s6 =	sor.u32 s0, s4  }
0x9: {  	s26 =	simm.s32 $0x9;
	s28 =	simm.s32 $0xA;
	s5 =	smul.u32 $0xC8, s6  }
0xa: {  	s29 =	simm.s32 $0x0;
	s0 =	ssub.s32 $0x2, s0;
	s6 =	smul.u32 $0xC80, s6  }
0xb: {  	s3 =	rddreg [dreg:$0x2];
	s4 =	simm.s32 $0x0;
	s7 =	sshrl.u32 s0, $0x1  }
0xc: {  	[smem:$0x7FF] =	sst s4;
	s0 =	ssub.s32 s0, s7;
	s2 =	sadd.s32 s2, s6  }
0xd: {  	_ =	strace $0x80000047;
	s0 =	smax.u32 s0, $0x1;
	[dreg:$0x4] =	wrdreg s2  }
0xe: {  	s7 =	sor.u32 $0x1, s5;
	s8 =	sor.u32 $0x2, s5;
	[dreg:$0x5] =	wrdreg s0  }
.LBB2_1:
0xf: {  	s0 =	rddreg [dreg:$0x4];
	s14 =	simm.s32 $0xB  }
0x10: {  	[tilespmem:s4], [sflag:$0xB] =	stream.linear.gather [hbm4b:s0+s4], $0x6400, $0x38;
	[tilespmem:$0x1A400] =	vst v63  }
0x11: {  	_ =	swait.ge [sflag:s14], $0x6400  }
0x12: {  	[sflag:s14] =	ssyncset.done $0x0  }
0x13: {  	[sflag:s14] =	ssyncadd.s32 $0xFFFF9C00  }
0x14: {  	[tilespmem:s12], [sflag:$0x1] =	stream.indirect.gather [hbm4b:s1+s11], $0x80, s4, s11, $0xb8;
	[tilespmem:$0x1A400] =	vst v63  }
0x15: {  	_ = 	snop  }
0x16: {  	[tilespmem:s13], [sflag:$0x2] =	stream.indirect.gather [hbm4b:s1+s11], $0x80, s11, s11, $0xb8;
	[tilespmem:$0x1A400] =	vst v63  }
0x17: {  	s31 =	simm.s32 $0x100;
	s30 =	simm.s32 $0x0  }
0x18: {  	[tilespmem:s15], [sflag:$0x3] =	stream.indirect.gather [hbm4b:s1+s11], $0x80, s31, s11, $0xb8;
	[tilespmem:$0x1A400] =	vst v63  }
.LBB2_2:
0x19: {  	s0 =	smul.u32 $0x5, s30;
	p0 =	seq.s32 s30, $0x0  }
0x1a: {  	s6 =	simm.s32 @!p0 $0x9  }
0x1b: {  	s2 =	sadd.s32 $0x3, s0;
	_ =	swait.ge @!p0 [sflag:s6], $0x4000  }
0x1c: {  	[sflag:s6] =	ssyncset.done @!p0 $0x0;
	s9 =	sshll.u32 s2, $0x7  }
0x1d: {  	[sflag:s6] =	ssyncadd.s32 @!p0 $0xFFFFC000;
	s31 =	sand.u32 $0x3FFFFF80, s9  }
0x1e: {  	[tilespmem:s16], [sflag:$0x4] =	stream.indirect.gather [hbm4b:s1+s11], $0x80, s31, s11, $0xb8;
	[tilespmem:$0x1A400] =	vst v63  }
0x1f: {  	_ =	swait.ge [sflag:s17], $0x4000  }
0x20: {  	[sflag:s17] =	ssyncset.done $0x0  }
0x21: {  	s6 =	simm.s32 $0x6480;
	[sflag:s17] =	ssyncadd.s32 $0xFFFFC000  }
0x22: {  	v0 =	vld [tilespmem:s6+$0xFFFFFF80]  }
0x23: {  	v1 =	vld [tilespmem:s6+$0xFFFFFF90]  }
0x24: {  	v2 =	vld [tilespmem:s6+$0xFFFFFFA0]  }
0x25: {  	v3 =	vld [tilespmem:s6+$0xFFFFFFB0]  }
0x26: {  	v4 =	vld [tilespmem:s6+$0xFFFFFFC0]  }
0x27: {  	v5 =	vld [tilespmem:s6+$0xFFFFFFD0];
	v0 =	vmul.f32 $1.131370830e+01, v0  }
0x28: {  	v6 =	vld [tilespmem:s6+$0xFFFFFFE0];
	v1 =	vmul.f32 $1.131370830e+01, v1  }
0x29: {  	[tilespmem:s6+$0xFFFFFF80] =	vst v0;
	v0 =	vmul.f32 $1.131370830e+01, v2;
	v2 =	vld [tilespmem:s6+$0x0]  }
0x2a: {  	[tilespmem:s6+$0xFFFFFF90] =	vst v1;
	v1 =	vmul.f32 $1.131370830e+01, v3;
	v3 =	vld [tilespmem:s6+$0x10]  }
0x2b: {  	[tilespmem:s6+$0xFFFFFFA0] =	vst v0;
	v0 =	vmul.f32 $1.131370830e+01, v4;
	v4 =	vld [tilespmem:s6+$0x20]  }
0x2c: {  	v7 =	vld [tilespmem:s6+$0x30];
	[tilespmem:s6+$0xFFFFFFB0] =	vst v1;
	v1 =	vmul.f32 $1.131370830e+01, v5  }
0x2d: {  	v5 =	vmul.f32 $1.131370830e+01, v6;
	[tilespmem:s6+$0xFFFFFFC0] =	vst v0;
	v0 =	vld [tilespmem:s6+$0x40]  }
0x2e: {  	[tilespmem:s6+$0xFFFFFFD0] =	vst v1;
	v1 =	vld [tilespmem:s6+$0x50];
	v2 =	vmul.f32 $1.131370830e+01, v2  }
0x2f: {  	[tilespmem:s6+$0xFFFFFFE0] =	vst v5;
	v6 =	vmul.f32 $1.131370830e+01, v3;
	v3 =	vld [tilespmem:s6+$0x60]  }
0x30: {  	[tilespmem:s6+$0x0] =	vst v2;
	v5 =	vmul.f32 $1.131370830e+01, v4;
	v4 =	vld [tilespmem:s6+$0x70]  }
0x31: {  	s14 =	simm.s32 $0x6580;
	s9 =	simm.s32 $0x0;
	v2 =	vld [tilespmem:s6+$0xFFFFFFF0];
	[tilespmem:s6+$0x10] =	vst v6;
	v6 =	vmul.f32 $1.131370830e+01, v7  }
.LBB2_3:
0x32: {  	v7 =	vld [tilespmem:s14+$0xFFFFFF80];
	[tilespmem:s6+$0x20] =	vst v5;
	v0 =	vmul.f32 $1.131370830e+01, v0  }
0x33: {  	v5 =	vld [tilespmem:s14+$0xFFFFFF90];
	[tilespmem:s6+$0x30] =	vst v6;
	v1 =	vmul.f32 $1.131370830e+01, v1  }
0x34: {  	v6 =	vld [tilespmem:s14+$0xFFFFFFA0];
	[tilespmem:s6+$0x40] =	vst v0;
	v0 =	vmul.f32 $1.131370830e+01, v3  }
0x35: {  	v3 =	vld [tilespmem:s14+$0xFFFFFFB0];
	[tilespmem:s6+$0x50] =	vst v1;
	v1 =	vmul.f32 $1.131370830e+01, v4  }
0x36: {  	v4 =	vld [tilespmem:s14+$0xFFFFFFC0];
	v2 =	vmul.f32 $1.131370830e+01, v2;
	[tilespmem:s6+$0x60] =	vst v0  }
0x37: {  	v0 =	vmul.f32 $1.131370830e+01, v7;
	v7 =	vld [tilespmem:s14+$0xFFFFFFD0];
	[tilespmem:s6+$0x70] =	vst v1  }
0x38: {  	v1 =	vmul.f32 $1.131370830e+01, v5;
	v5 =	vld [tilespmem:s14+$0xFFFFFFE0];
	[tilespmem:s6+$0xFFFFFFF0] =	vst v2;
	s6 =	smov.u32 s14  }
0x39: {  	[tilespmem:s14+$0xFFFFFF80] =	vst v0;
	v0 =	vmul.f32 $1.131370830e+01, v6;
	v2 =	vld [tilespmem:s14+$0x0]  }
0x3a: {  	[tilespmem:s14+$0xFFFFFF90] =	vst v1;
	v1 =	vmul.f32 $1.131370830e+01, v3;
	v3 =	vld [tilespmem:s14+$0x10]  }
0x3b: {  	s9 =	sadd.s32 $0x2, s9;
	[tilespmem:s14+$0xFFFFFFA0] =	vst v0;
	v0 =	vmul.f32 $1.131370830e+01, v4;
	v4 =	vld [tilespmem:s14+$0x20]  }
0x3c: {  	p1 =	slt.u32 s9, $0x7E;
	[tilespmem:s14+$0xFFFFFFB0] =	vst v1;
	v1 =	vmul.f32 $1.131370830e+01, v7;
	v6 =	vld [tilespmem:s14+$0x30]  }
.Ltmp0:
0x3d: {  	[tilespmem:s14+$0xFFFFFFC0] =	vst v0;
	v5 =	vmul.f32 $1.131370830e+01, v5;
	v0 =	vld [tilespmem:s14+$0x40];
	(pc) =	sbr.rel @p1 .LBB2_3-.Ltmp0, $4  }
0x3e: {  	[tilespmem:s14+$0xFFFFFFD0] =	vst v1;
	v2 =	vmul.f32 $1.131370830e+01, v2;
	v1 =	vld [tilespmem:s14+$0x50]  }
0x3f: {  	[tilespmem:s14+$0xFFFFFFE0] =	vst v5;
	v7 =	vmul.f32 $1.131370830e+01, v3;
	v3 =	vld [tilespmem:s14+$0x60]  }
0x40: {  	[tilespmem:s14+$0x0] =	vst v2;
	v5 =	vmul.f32 $1.131370830e+01, v4;
	v4 =	vld [tilespmem:s14+$0x70]  }
0x41: {  	s14 =	sadd.s32 $0x100, s14;
	v2 =	vld [tilespmem:s6+$0xFFFFFFF0];
	[tilespmem:s6+$0x10] =	vst v7;
	v6 =	vmul.f32 $1.131370830e+01, v6  }
0x42: {  	[tilespmem:s6+$0x20] =	vst v5;
	v0 =	vmul.f32 $1.131370830e+01, v0  }
0x43: {  	[tilespmem:s6+$0x30] =	vst v6;
	v1 =	vmul.f32 $1.131370830e+01, v1  }
0x44: {  	[tilespmem:s6+$0x40] =	vst v0;
	v0 =	vmul.f32 $1.131370830e+01, v3  }
0x45: {  	[tilespmem:s6+$0x50] =	vst v1;
	v1 =	vmul.f32 $1.131370830e+01, v4  }
0x46: {  	s9 =	sadd.s32 s5, s0;
	v2 =	vmul.f32 $1.131370830e+01, v2;
	[tilespmem:s6+$0x60] =	vst v0  }
0x47: {  	s9 =	sshll.u32 s9, $0xB;
	[tilespmem:s6+$0x70] =	vst v1  }
0x48: {  	s9 =	sadd.s32 s3, s9;
	[tilespmem:s6+$0xFFFFFFF0] =	vst v2;
	s6 =	simm.s32 @!p0 $0xA  }
0x49: {  	[hbm4b:s9+s4] =	stream.linear.scatter [tilespmem:s12], [sflag:$0x6], $0x4000, $0x38;
	[tilespmem:$0x1A400] =	vst v63  }
0x4a: {  	s31 =	sadd.s32 $0x4, s0;
	_ =	swait.ge @!p0 [sflag:s6], $0x4000  }
0x4b: {  	s10 =	sshll.u32 s31, $0x7;
	[sflag:s6] =	ssyncset.done @!p0 $0x0  }
0x4c: {  	s14 =	sand.u32 $0x3FFFFF80, s10;
	[sflag:s6] =	ssyncadd.s32 @!p0 $0xFFFFC000  }
0x4d: {  	[tilespmem:s18], [sflag:$0x5] =	stream.indirect.gather [hbm4b:s1+s11], $0x80, s14, s11, $0xb8;
	[tilespmem:$0x1A400] =	vst v63  }
0x4e: {  	_ =	swait.ge [sflag:s19], $0x4000  }
0x4f: {  	[sflag:s19] =	ssyncset.done $0x0  }
0x50: {  	s14 =	simm.s32 $0xA400;
	[sflag:s19] =	ssyncadd.s32 $0xFFFFC000  }
0x51: {  	v1 =	vld [tilespmem:s14+$0xA0]  }
0x52: {  	v2 =	vld [tilespmem:s14+$0x40]  }
0x53: {  	v3 =	vld [tilespmem:s14+$0xE0]  }
0x54: {  	v4 =	vld [tilespmem:s14+$0xD0]  }
0x55: {  	v5 =	vld [tilespmem:s14+$0x20]  }
0x56: {  	v0 =	vld [tilespmem:s14+$0x90]  }
0x57: {  	v8 =	vld [tilespmem:s14+$0xC0]  }
0x58: {  	v7 =	vld [tilespmem:s14+$0x10]  }
0x59: {  	v9 =	vld [tilespmem:s14+$0x0];
	v1 =	vmul.f32 $1.131370830e+01, v1  }
0x5a: {  	v11 =	vld [tilespmem:s14+$0x50];
	v4 =	vmul.f32 $1.131370830e+01, v4  }
0x5b: {  	v10 =	vld [tilespmem:s14+$0xB0];
	v12 =	vmul.f32 $1.131370830e+01, v5;
	[tilespmem:s14+$0xA0] =	vst v1  }
0x5c: {  	v6 =	vld [tilespmem:s14+$0xF0];
	v13 =	vmul.f32 $1.131370830e+01, v8;
	[tilespmem:s14+$0xD0] =	vst v4  }
0x5d: {  	v1 =	vmul.f32 $1.131370830e+01, v2;
	v2 =	vmul.f32 $1.131370830e+01, v3;
	v3 =	vld [tilespmem:s14+$0x80];
	[tilespmem:s14+$0x20] =	vst v12  }
0x5e: {  	v4 =	vld [tilespmem:s14+$0x70];
	[tilespmem:s14+$0xC0] =	vst v13  }
0x5f: {  	v8 =	vmul.f32 $1.131370830e+01, v9;
	v5 =	vld [tilespmem:s14+$0x60];
	v9 =	vmul.f32 $1.131370830e+01, v11;
	[tilespmem:s14+$0x40] =	vst v1  }
0x60: {  	s9 =	simm.s32 $0xA500;
	s6 =	simm.s32 $0x0;
	[tilespmem:s14+$0xE0] =	vst v2;
	v1 =	vmul.f32 $1.131370830e+01, v7;
	v7 =	vld [tilespmem:s14+$0x30];
	v2 =	vmul.f32 $1.131370830e+01, v10  }
.LBB2_5:
0x61: {  	v10 =	vld [tilespmem:s9+$0xA0];
	s6 =	sadd.s32 $0x2, s6;
	[tilespmem:s14+$0x0] =	vst v8;
	v0 =	vmul.f32 $1.131370830e+01, v0;
	v6 =	vmul.f32 $1.131370830e+01, v6  }
0x62: {  	v8 =	vld [tilespmem:s9+$0x40];
	p0 =	slt.u32 s6, $0x7E;
	[tilespmem:s14+$0x50] =	vst v9;
	v3 =	vmul.f32 $1.131370830e+01, v3  }
0x63: {  	v9 =	vld [tilespmem:s9+$0xE0];
	v4 =	vmul.f32 $1.131370830e+01, v4;
	[tilespmem:s14+$0xF0] =	vst v6  }
0x64: {  	v11 =	vld [tilespmem:s9+$0x20];
	v5 =	vmul.f32 $1.131370830e+01, v5;
	[tilespmem:s14+$0x80] =	vst v3  }
0x65: {  	v3 =	vld [tilespmem:s9+$0xD0];
	v6 =	vmul.f32 $1.131370830e+01, v7;
	[tilespmem:s14+$0x90] =	vst v0  }
0x66: {  	v0 =	vld [tilespmem:s9+$0x90];
	v7 =	vmul.f32 $1.131370830e+01, v10;
	[tilespmem:s14+$0x10] =	vst v1  }
0x67: {  	v1 =	vld [tilespmem:s9+$0x10];
	[tilespmem:s14+$0x30] =	vst v6  }
0x68: {  	v10 =	vld [tilespmem:s9+$0xC0];
	v9 =	vmul.f32 $1.131370830e+01, v9;
	[tilespmem:s14+$0xB0] =	vst v2  }
0x69: {  	v2 =	vld [tilespmem:s9+$0x0];
	[tilespmem:s14+$0x70] =	vst v4  }
0x6a: {  	v12 =	vld [tilespmem:s9+$0xB0];
	v3 =	vmul.f32 $1.131370830e+01, v3;
	[tilespmem:s14+$0x60] =	vst v5;
	s14 =	smov.u32 s9  }
0x6b: {  	v13 =	vld [tilespmem:s9+$0x50];
	[tilespmem:s9+$0xA0] =	vst v7  }
.Ltmp1:
0x6c: {  	v4 =	vmul.f32 $1.131370830e+01, v8;
	[tilespmem:s9+$0xD0] =	vst v3;
	v6 =	vld [tilespmem:s9+$0xF0];
	(pc) =	sbr.rel @p0 .LBB2_5-.Ltmp1, $4  }
0x6d: {  	v3 =	vld [tilespmem:s9+$0x80];
	v7 =	vmul.f32 $1.131370830e+01, v10;
	[tilespmem:s9+$0xE0] =	vst v9  }
0x6e: {  	v9 =	vmul.f32 $1.131370830e+01, v11;
	[tilespmem:s9+$0x40] =	vst v4;
	v4 =	vld [tilespmem:s9+$0x70]  }
0x6f: {  	v1 =	vmul.f32 $1.131370830e+01, v1;
	v8 =	vmul.f32 $1.131370830e+01, v2;
	v5 =	vld [tilespmem:s9+$0x60];
	[tilespmem:s9+$0xC0] =	vst v7  }
0x70: {  	v2 =	vmul.f32 $1.131370830e+01, v12;
	s9 =	sadd.s32 $0x100, s9;
	[tilespmem:s14+$0x20] =	vst v9;
	v7 =	vld [tilespmem:s14+$0x30];
	v9 =	vmul.f32 $1.131370830e+01, v13  }
0x71: {  	[tilespmem:s14+$0x0] =	vst v8  }
0x72: {  	[tilespmem:s14+$0x10] =	vst v1  }
0x73: {  	v6 =	vmul.f32 $1.131370830e+01, v6;
	[tilespmem:s14+$0x50] =	vst v9  }
0x74: {  	v0 =	vmul.f32 $1.131370830e+01, v0;
	[tilespmem:s14+$0xB0] =	vst v2  }
0x75: {  	v3 =	vmul.f32 $1.131370830e+01, v3;
	[tilespmem:s14+$0xF0] =	vst v6  }
0x76: {  	[tilespmem:s14+$0x90] =	vst v0;
	v0 =	vmul.f32 $1.131370830e+01, v4  }
0x77: {  	s6 =	sadd.s32 s0, s7;
	[tilespmem:s14+$0x80] =	vst v3;
	v1 =	vmul.f32 $1.131370830e+01, v5  }
0x78: {  	s6 =	sshll.u32 s6, $0xB;
	v3 =	vmul.f32 $1.131370830e+01, v7;
	[tilespmem:s14+$0x70] =	vst v0  }
0x79: {  	s6 =	sand.u32 $0x1FFFF800, s6;
	[tilespmem:s14+$0x60] =	vst v1  }
0x7a: {  	p0 =	seq.s32 s30, $0x27;
	s6 =	sadd.s32 s3, s6;
	[tilespmem:s14+$0x30] =	vst v3  }
0x7b: {  	[hbm4b:s6+s4] =	stream.linear.scatter [tilespmem:s13], [sflag:$0x7], $0x4000, $0x38;
	[tilespmem:$0x1A400] =	vst v63  }
0x7c: {  	s9 =	smul.u32 @!p0 $0xA00, s30;
	s6 =	simm.s32 @!p0 $0x6  }
0x7d: {  	_ =	swait.ge @!p0 [sflag:s6], $0x4000  }
0x7e: {  	s10 =	simm.s32 @!p0 $0x6400;
	s14 =	sshra.s32 @!p0 s9, $0x2;
	[sflag:s6] =	ssyncset.done @!p0 $0x0  }
0x7f: {  	s9 =	simm.s32 @!p0 $0x80;
	[sflag:s6] =	ssyncadd.s32 @!p0 $0xFFFFC000;
	s6 =	sadd.s32 @!p0 $0x280, s14  }
0x80: {  	[tilespmem:s10], [sflag:$0x1] =	stream.indirect.gather @!p0 [hbm4b:s1+s9], $0x80, s6, s9, $0xb8;
	[tilespmem:$0x1A400] =	vst v63  }
0x81: {  	_ =	swait.ge [sflag:s20], $0x4000  }
0x82: {  	[sflag:s20] =	ssyncset.done $0x0  }
0x83: {  	s6 =	simm.s32 $0xE400;
	[sflag:s20] =	ssyncadd.s32 $0xFFFFC000  }
0x84: {  	v1 =	vld [tilespmem:s6+$0xA0]  }
0x85: {  	v2 =	vld [tilespmem:s6+$0x40]  }
0x86: {  	v3 =	vld [tilespmem:s6+$0xE0]  }
0x87: {  	v4 =	vld [tilespmem:s6+$0xD0]  }
0x88: {  	v5 =	vld [tilespmem:s6+$0x20]  }
0x89: {  	v0 =	vld [tilespmem:s6+$0x90]  }
0x8a: {  	v8 =	vld [tilespmem:s6+$0xC0]  }
0x8b: {  	v7 =	vld [tilespmem:s6+$0x10]  }
0x8c: {  	v9 =	vld [tilespmem:s6+$0x0];
	v1 =	vmul.f32 $1.131370830e+01, v1  }
0x8d: {  	v11 =	vld [tilespmem:s6+$0x50];
	v4 =	vmul.f32 $1.131370830e+01, v4  }
0x8e: {  	v10 =	vld [tilespmem:s6+$0xB0];
	v12 =	vmul.f32 $1.131370830e+01, v5;
	[tilespmem:s6+$0xA0] =	vst v1  }
0x8f: {  	v6 =	vld [tilespmem:s6+$0xF0];
	v13 =	vmul.f32 $1.131370830e+01, v8;
	[tilespmem:s6+$0xD0] =	vst v4  }
0x90: {  	v1 =	vmul.f32 $1.131370830e+01, v2;
	v2 =	vmul.f32 $1.131370830e+01, v3;
	v3 =	vld [tilespmem:s6+$0x80];
	[tilespmem:s6+$0x20] =	vst v12  }
0x91: {  	v4 =	vld [tilespmem:s6+$0x70];
	[tilespmem:s6+$0xC0] =	vst v13  }
0x92: {  	v8 =	vmul.f32 $1.131370830e+01, v9;
	v5 =	vld [tilespmem:s6+$0x60];
	v9 =	vmul.f32 $1.131370830e+01, v11;
	[tilespmem:s6+$0x40] =	vst v1  }
0x93: {  	s9 =	simm.s32 $0x0;
	s10 =	simm.s32 $0xE500;
	[tilespmem:s6+$0xE0] =	vst v2;
	v1 =	vmul.f32 $1.131370830e+01, v7;
	v7 =	vld [tilespmem:s6+$0x30];
	v2 =	vmul.f32 $1.131370830e+01, v10  }
.LBB2_7:
0x94: {  	v10 =	vld [tilespmem:s10+$0xA0];
	s9 =	sadd.s32 $0x2, s9;
	[tilespmem:s6+$0x0] =	vst v8;
	v0 =	vmul.f32 $1.131370830e+01, v0;
	v6 =	vmul.f32 $1.131370830e+01, v6  }
0x95: {  	v8 =	vld [tilespmem:s10+$0x40];
	p1 =	slt.u32 s9, $0x7E;
	[tilespmem:s6+$0x50] =	vst v9;
	v3 =	vmul.f32 $1.131370830e+01, v3  }
0x96: {  	v9 =	vld [tilespmem:s10+$0xE0];
	v4 =	vmul.f32 $1.131370830e+01, v4;
	[tilespmem:s6+$0xF0] =	vst v6  }
0x97: {  	v11 =	vld [tilespmem:s10+$0x20];
	v5 =	vmul.f32 $1.131370830e+01, v5;
	[tilespmem:s6+$0x80] =	vst v3  }
0x98: {  	v3 =	vld [tilespmem:s10+$0xD0];
	v6 =	vmul.f32 $1.131370830e+01, v7;
	[tilespmem:s6+$0x90] =	vst v0  }
0x99: {  	v0 =	vld [tilespmem:s10+$0x90];
	v7 =	vmul.f32 $1.131370830e+01, v10;
	[tilespmem:s6+$0x10] =	vst v1  }
0x9a: {  	v1 =	vld [tilespmem:s10+$0x10];
	[tilespmem:s6+$0x30] =	vst v6  }
0x9b: {  	v10 =	vld [tilespmem:s10+$0xC0];
	v9 =	vmul.f32 $1.131370830e+01, v9;
	[tilespmem:s6+$0xB0] =	vst v2  }
0x9c: {  	v2 =	vld [tilespmem:s10+$0x0];
	[tilespmem:s6+$0x70] =	vst v4  }
0x9d: {  	v12 =	vld [tilespmem:s10+$0xB0];
	v3 =	vmul.f32 $1.131370830e+01, v3;
	[tilespmem:s6+$0x60] =	vst v5;
	s6 =	smov.u32 s10  }
0x9e: {  	v13 =	vld [tilespmem:s10+$0x50];
	[tilespmem:s10+$0xA0] =	vst v7  }
.Ltmp2:
0x9f: {  	v4 =	vmul.f32 $1.131370830e+01, v8;
	[tilespmem:s10+$0xD0] =	vst v3;
	v6 =	vld [tilespmem:s10+$0xF0];
	(pc) =	sbr.rel @p1 .LBB2_7-.Ltmp2, $4  }
0xa0: {  	v3 =	vld [tilespmem:s10+$0x80];
	v7 =	vmul.f32 $1.131370830e+01, v10;
	[tilespmem:s10+$0xE0] =	vst v9  }
0xa1: {  	v9 =	vmul.f32 $1.131370830e+01, v11;
	[tilespmem:s10+$0x40] =	vst v4;
	v4 =	vld [tilespmem:s10+$0x70]  }
0xa2: {  	v1 =	vmul.f32 $1.131370830e+01, v1;
	v8 =	vmul.f32 $1.131370830e+01, v2;
	v5 =	vld [tilespmem:s10+$0x60];
	[tilespmem:s10+$0xC0] =	vst v7  }
0xa3: {  	v2 =	vmul.f32 $1.131370830e+01, v12;
	s10 =	sadd.s32 $0x100, s10;
	[tilespmem:s6+$0x20] =	vst v9;
	v7 =	vld [tilespmem:s6+$0x30];
	v9 =	vmul.f32 $1.131370830e+01, v13  }
0xa4: {  	[tilespmem:s6+$0x0] =	vst v8  }
0xa5: {  	[tilespmem:s6+$0x10] =	vst v1  }
0xa6: {  	v6 =	vmul.f32 $1.131370830e+01, v6;
	[tilespmem:s6+$0x50] =	vst v9  }
0xa7: {  	v0 =	vmul.f32 $1.131370830e+01, v0;
	[tilespmem:s6+$0xB0] =	vst v2  }
0xa8: {  	v3 =	vmul.f32 $1.131370830e+01, v3;
	[tilespmem:s6+$0xF0] =	vst v6  }
0xa9: {  	[tilespmem:s6+$0x90] =	vst v0;
	v0 =	vmul.f32 $1.131370830e+01, v4  }
0xaa: {  	s0 =	sadd.s32 s0, s8;
	[tilespmem:s6+$0x80] =	vst v3;
	v1 =	vmul.f32 $1.131370830e+01, v5  }
0xab: {  	s0 =	sshll.u32 s0, $0xB;
	v3 =	vmul.f32 $1.131370830e+01, v7;
	[tilespmem:s6+$0x70] =	vst v0  }
0xac: {  	s0 =	sand.u32 $0x1FFFF800, s0;
	[tilespmem:s6+$0x60] =	vst v1  }
0xad: {  	s0 =	sadd.s32 s3, s0;
	[tilespmem:s6+$0x30] =	vst v3  }
0xae: {  	[hbm4b:s0+s4] =	stream.linear.scatter [tilespmem:s15], [sflag:$0x8], $0x4000, $0x38;
	[tilespmem:$0x1A400] =	vst v63  }
0xaf: {  	s0 =	simm.s32 @!p0 $0x7  }
0xb0: {  	_ =	swait.ge @!p0 [sflag:s0], $0x4000  }
0xb1: {  	s9 =	simm.s32 @!p0 $0xA400;
	[sflag:s0] =	ssyncset.done @!p0 $0x0  }
0xb2: {  	s6 =	simm.s32 @!p0 $0x80;
	[sflag:s0] =	ssyncadd.s32 @!p0 $0xFFFFC000;
	s0 =	sadd.s32 @!p0 $0x300, s14  }
0xb3: {  	[tilespmem:s9], [sflag:$0x2] =	stream.indirect.gather @!p0 [hbm4b:s1+s6], $0x80, s0, s6, $0xb8;
	[tilespmem:$0x1A400] =	vst v63  }
0xb4: {  	_ =	swait.ge [sflag:s21], $0x4000  }
0xb5: {  	[sflag:s21] =	ssyncset.done $0x0  }
0xb6: {  	s0 =	simm.s32 $0x12400;
	[sflag:s21] =	ssyncadd.s32 $0xFFFFC000  }
0xb7: {  	v1 =	vld [tilespmem:s0+$0xA0]  }
0xb8: {  	v2 =	vld [tilespmem:s0+$0x40]  }
0xb9: {  	v3 =	vld [tilespmem:s0+$0xE0]  }
0xba: {  	v4 =	vld [tilespmem:s0+$0xD0]  }
0xbb: {  	v5 =	vld [tilespmem:s0+$0x20]  }
0xbc: {  	v0 =	vld [tilespmem:s0+$0x90]  }
0xbd: {  	v8 =	vld [tilespmem:s0+$0xC0]  }
0xbe: {  	v7 =	vld [tilespmem:s0+$0x10]  }
0xbf: {  	v9 =	vld [tilespmem:s0+$0x0];
	v1 =	vmul.f32 $1.131370830e+01, v1  }
0xc0: {  	v11 =	vld [tilespmem:s0+$0x50];
	v4 =	vmul.f32 $1.131370830e+01, v4  }
0xc1: {  	v10 =	vld [tilespmem:s0+$0xB0];
	v12 =	vmul.f32 $1.131370830e+01, v5;
	[tilespmem:s0+$0xA0] =	vst v1  }
0xc2: {  	v6 =	vld [tilespmem:s0+$0xF0];
	v13 =	vmul.f32 $1.131370830e+01, v8;
	[tilespmem:s0+$0xD0] =	vst v4  }
0xc3: {  	v1 =	vmul.f32 $1.131370830e+01, v2;
	v2 =	vmul.f32 $1.131370830e+01, v3;
	v3 =	vld [tilespmem:s0+$0x80];
	[tilespmem:s0+$0x20] =	vst v12  }
0xc4: {  	v4 =	vld [tilespmem:s0+$0x70];
	[tilespmem:s0+$0xC0] =	vst v13  }
0xc5: {  	v8 =	vmul.f32 $1.131370830e+01, v9;
	v5 =	vld [tilespmem:s0+$0x60];
	v9 =	vmul.f32 $1.131370830e+01, v11;
	[tilespmem:s0+$0x40] =	vst v1  }
0xc6: {  	s6 =	simm.s32 $0x0;
	s9 =	simm.s32 $0x12500;
	[tilespmem:s0+$0xE0] =	vst v2;
	v1 =	vmul.f32 $1.131370830e+01, v7;
	v7 =	vld [tilespmem:s0+$0x30];
	v2 =	vmul.f32 $1.131370830e+01, v10  }
.LBB2_9:
0xc7: {  	v10 =	vld [tilespmem:s9+$0xA0];
	s6 =	sadd.s32 $0x2, s6;
	[tilespmem:s0+$0x0] =	vst v8;
	v0 =	vmul.f32 $1.131370830e+01, v0;
	v6 =	vmul.f32 $1.131370830e+01, v6  }
0xc8: {  	v8 =	vld [tilespmem:s9+$0x40];
	p1 =	slt.u32 s6, $0x7E;
	[tilespmem:s0+$0x50] =	vst v9;
	v3 =	vmul.f32 $1.131370830e+01, v3  }
0xc9: {  	v9 =	vld [tilespmem:s9+$0xE0];
	v4 =	vmul.f32 $1.131370830e+01, v4;
	[tilespmem:s0+$0xF0] =	vst v6  }
0xca: {  	v11 =	vld [tilespmem:s9+$0x20];
	v5 =	vmul.f32 $1.131370830e+01, v5;
	[tilespmem:s0+$0x80] =	vst v3  }
0xcb: {  	v3 =	vld [tilespmem:s9+$0xD0];
	v6 =	vmul.f32 $1.131370830e+01, v7;
	[tilespmem:s0+$0x90] =	vst v0  }
0xcc: {  	v0 =	vld [tilespmem:s9+$0x90];
	v7 =	vmul.f32 $1.131370830e+01, v10;
	[tilespmem:s0+$0x10] =	vst v1  }
0xcd: {  	v1 =	vld [tilespmem:s9+$0x10];
	[tilespmem:s0+$0x30] =	vst v6  }
0xce: {  	v10 =	vld [tilespmem:s9+$0xC0];
	v9 =	vmul.f32 $1.131370830e+01, v9;
	[tilespmem:s0+$0xB0] =	vst v2  }
0xcf: {  	v2 =	vld [tilespmem:s9+$0x0];
	[tilespmem:s0+$0x70] =	vst v4  }
0xd0: {  	v12 =	vld [tilespmem:s9+$0xB0];
	v3 =	vmul.f32 $1.131370830e+01, v3;
	[tilespmem:s0+$0x60] =	vst v5;
	s0 =	smov.u32 s9  }
0xd1: {  	v13 =	vld [tilespmem:s9+$0x50];
	[tilespmem:s9+$0xA0] =	vst v7  }
.Ltmp3:
0xd2: {  	v4 =	vmul.f32 $1.131370830e+01, v8;
	[tilespmem:s9+$0xD0] =	vst v3;
	v6 =	vld [tilespmem:s9+$0xF0];
	(pc) =	sbr.rel @p1 .LBB2_9-.Ltmp3, $4  }
0xd3: {  	v3 =	vld [tilespmem:s9+$0x80];
	v7 =	vmul.f32 $1.131370830e+01, v10;
	[tilespmem:s9+$0xE0] =	vst v9  }
0xd4: {  	v9 =	vmul.f32 $1.131370830e+01, v11;
	[tilespmem:s9+$0x40] =	vst v4;
	v4 =	vld [tilespmem:s9+$0x70]  }
0xd5: {  	v1 =	vmul.f32 $1.131370830e+01, v1;
	v8 =	vmul.f32 $1.131370830e+01, v2;
	v5 =	vld [tilespmem:s9+$0x60];
	[tilespmem:s9+$0xC0] =	vst v7  }
0xd6: {  	v2 =	vmul.f32 $1.131370830e+01, v12;
	s9 =	sadd.s32 $0x100, s9;
	[tilespmem:s0+$0x20] =	vst v9;
	v7 =	vld [tilespmem:s0+$0x30];
	v9 =	vmul.f32 $1.131370830e+01, v13  }
0xd7: {  	[tilespmem:s0+$0x0] =	vst v8  }
0xd8: {  	[tilespmem:s0+$0x10] =	vst v1  }
0xd9: {  	v6 =	vmul.f32 $1.131370830e+01, v6;
	[tilespmem:s0+$0x50] =	vst v9  }
0xda: {  	v0 =	vmul.f32 $1.131370830e+01, v0;
	[tilespmem:s0+$0xB0] =	vst v2  }
0xdb: {  	v3 =	vmul.f32 $1.131370830e+01, v3;
	[tilespmem:s0+$0xF0] =	vst v6  }
0xdc: {  	[tilespmem:s0+$0x90] =	vst v0;
	v0 =	vmul.f32 $1.131370830e+01, v4  }
0xdd: {  	s2 =	sadd.s32 s5, s2;
	[tilespmem:s0+$0x80] =	vst v3;
	v1 =	vmul.f32 $1.131370830e+01, v5  }
0xde: {  	s2 =	sshll.u32 s2, $0xB;
	v3 =	vmul.f32 $1.131370830e+01, v7;
	[tilespmem:s0+$0x70] =	vst v0  }
0xdf: {  	s2 =	sand.u32 $0x1FFFF800, s2;
	[tilespmem:s0+$0x60] =	vst v1  }
0xe0: {  	s10 =	sadd.s32 s3, s2;
	[tilespmem:s0+$0x30] =	vst v3;
	s0 =	simm.s32 @!p0 $0x8  }
0xe1: {  	[hbm4b:s10+s4] =	stream.linear.scatter [tilespmem:s16], [sflag:$0x9], $0x4000, $0x38;
	[tilespmem:$0x1A400] =	vst v63  }
0xe2: {  	_ =	swait.ge @!p0 [sflag:s0], $0x4000  }
0xe3: {  	s6 =	simm.s32 @!p0 $0xE400;
	[sflag:s0] =	ssyncset.done @!p0 $0x0  }
0xe4: {  	s2 =	simm.s32 @!p0 $0x80;
	[sflag:s0] =	ssyncadd.s32 @!p0 $0xFFFFC000;
	s0 =	sadd.s32 @!p0 $0x380, s14  }
0xe5: {  	[tilespmem:s6], [sflag:$0x3] =	stream.indirect.gather @!p0 [hbm4b:s1+s2], $0x80, s0, s2, $0xb8;
	[tilespmem:$0x1A400] =	vst v63  }
0xe6: {  	_ =	swait.ge [sflag:s22], $0x4000  }
0xe7: {  	[sflag:s22] =	ssyncset.done $0x0  }
0xe8: {  	s0 =	simm.s32 $0x16400;
	[sflag:s22] =	ssyncadd.s32 $0xFFFFC000  }
0xe9: {  	v1 =	vld [tilespmem:s0+$0xA0]  }
0xea: {  	v2 =	vld [tilespmem:s0+$0x40]  }
0xeb: {  	v3 =	vld [tilespmem:s0+$0xE0]  }
0xec: {  	v4 =	vld [tilespmem:s0+$0xD0]  }
0xed: {  	v5 =	vld [tilespmem:s0+$0x20]  }
0xee: {  	v0 =	vld [tilespmem:s0+$0x90]  }
0xef: {  	v8 =	vld [tilespmem:s0+$0xC0]  }
0xf0: {  	v7 =	vld [tilespmem:s0+$0x10]  }
0xf1: {  	v9 =	vld [tilespmem:s0+$0x0];
	v1 =	vmul.f32 $1.131370830e+01, v1  }
0xf2: {  	v11 =	vld [tilespmem:s0+$0x50];
	v4 =	vmul.f32 $1.131370830e+01, v4  }
0xf3: {  	v10 =	vld [tilespmem:s0+$0xB0];
	v12 =	vmul.f32 $1.131370830e+01, v5;
	[tilespmem:s0+$0xA0] =	vst v1  }
0xf4: {  	v6 =	vld [tilespmem:s0+$0xF0];
	v13 =	vmul.f32 $1.131370830e+01, v8;
	[tilespmem:s0+$0xD0] =	vst v4  }
0xf5: {  	v1 =	vmul.f32 $1.131370830e+01, v2;
	v2 =	vmul.f32 $1.131370830e+01, v3;
	v3 =	vld [tilespmem:s0+$0x80];
	[tilespmem:s0+$0x20] =	vst v12  }
0xf6: {  	v4 =	vld [tilespmem:s0+$0x70];
	[tilespmem:s0+$0xC0] =	vst v13  }
0xf7: {  	v8 =	vmul.f32 $1.131370830e+01, v9;
	v5 =	vld [tilespmem:s0+$0x60];
	v9 =	vmul.f32 $1.131370830e+01, v11;
	[tilespmem:s0+$0x40] =	vst v1  }
0xf8: {  	s2 =	simm.s32 $0x0;
	s6 =	simm.s32 $0x16500;
	[tilespmem:s0+$0xE0] =	vst v2;
	v1 =	vmul.f32 $1.131370830e+01, v7;
	v7 =	vld [tilespmem:s0+$0x30];
	v2 =	vmul.f32 $1.131370830e+01, v10  }
.LBB2_11:
0xf9: {  	v10 =	vld [tilespmem:s6+$0xA0];
	s2 =	sadd.s32 $0x2, s2;
	[tilespmem:s0+$0x0] =	vst v8;
	v0 =	vmul.f32 $1.131370830e+01, v0;
	v6 =	vmul.f32 $1.131370830e+01, v6  }
0xfa: {  	v8 =	vld [tilespmem:s6+$0x40];
	p0 =	slt.u32 s2, $0x7E;
	[tilespmem:s0+$0x50] =	vst v9;
	v3 =	vmul.f32 $1.131370830e+01, v3  }
0xfb: {  	v9 =	vld [tilespmem:s6+$0xE0];
	v4 =	vmul.f32 $1.131370830e+01, v4;
	[tilespmem:s0+$0xF0] =	vst v6  }
0xfc: {  	v11 =	vld [tilespmem:s6+$0x20];
	v5 =	vmul.f32 $1.131370830e+01, v5;
	[tilespmem:s0+$0x80] =	vst v3  }
0xfd: {  	v3 =	vld [tilespmem:s6+$0xD0];
	v6 =	vmul.f32 $1.131370830e+01, v7;
	[tilespmem:s0+$0x90] =	vst v0  }
0xfe: {  	v0 =	vld [tilespmem:s6+$0x90];
	v7 =	vmul.f32 $1.131370830e+01, v10;
	[tilespmem:s0+$0x10] =	vst v1  }
0xff: {  	v1 =	vld [tilespmem:s6+$0x10];
	[tilespmem:s0+$0x30] =	vst v6  }
0x100: {  	v10 =	vld [tilespmem:s6+$0xC0];
	v9 =	vmul.f32 $1.131370830e+01, v9;
	[tilespmem:s0+$0xB0] =	vst v2  }
0x101: {  	v2 =	vld [tilespmem:s6+$0x0];
	[tilespmem:s0+$0x70] =	vst v4  }
0x102: {  	v12 =	vld [tilespmem:s6+$0xB0];
	v3 =	vmul.f32 $1.131370830e+01, v3;
	[tilespmem:s0+$0x60] =	vst v5;
	s0 =	smov.u32 s6  }
0x103: {  	v13 =	vld [tilespmem:s6+$0x50];
	[tilespmem:s6+$0xA0] =	vst v7  }
.Ltmp4:
0x104: {  	v4 =	vmul.f32 $1.131370830e+01, v8;
	[tilespmem:s6+$0xD0] =	vst v3;
	v6 =	vld [tilespmem:s6+$0xF0];
	(pc) =	sbr.rel @p0 .LBB2_11-.Ltmp4, $4  }
0x105: {  	v3 =	vld [tilespmem:s6+$0x80];
	v7 =	vmul.f32 $1.131370830e+01, v10;
	[tilespmem:s6+$0xE0] =	vst v9  }
0x106: {  	v9 =	vmul.f32 $1.131370830e+01, v11;
	[tilespmem:s6+$0x40] =	vst v4;
	v4 =	vld [tilespmem:s6+$0x70]  }
0x107: {  	v1 =	vmul.f32 $1.131370830e+01, v1;
	v8 =	vmul.f32 $1.131370830e+01, v2;
	v5 =	vld [tilespmem:s6+$0x60];
	[tilespmem:s6+$0xC0] =	vst v7  }
0x108: {  	v2 =	vmul.f32 $1.131370830e+01, v12;
	s6 =	sadd.s32 $0x100, s6;
	[tilespmem:s0+$0x20] =	vst v9;
	v7 =	vld [tilespmem:s0+$0x30];
	v9 =	vmul.f32 $1.131370830e+01, v13  }
0x109: {  	[tilespmem:s0+$0x0] =	vst v8  }
0x10a: {  	[tilespmem:s0+$0x10] =	vst v1  }
0x10b: {  	v6 =	vmul.f32 $1.131370830e+01, v6;
	[tilespmem:s0+$0x50] =	vst v9  }
0x10c: {  	v0 =	vmul.f32 $1.131370830e+01, v0;
	[tilespmem:s0+$0xB0] =	vst v2  }
0x10d: {  	s30 =	sadd.s32 $0x1, s30;
	v3 =	vmul.f32 $1.131370830e+01, v3;
	[tilespmem:s0+$0xF0] =	vst v6  }
0x10e: {  	p0 =	sne.s32 s30, $0x28;
	[tilespmem:s0+$0x90] =	vst v0;
	v62 =	vmul.f32 $1.131370830e+01, v4  }
.Ltmp5:
0x10f: {  	s2 =	sadd.s32 s5, s31;
	[tilespmem:s0+$0x80] =	vst v3;
	v63 =	vmul.f32 $1.131370830e+01, v5;
	(pc) =	sbr.rel @p0 .LBB2_2-.Ltmp5, $4  }
0x110: {  	s2 =	sshll.u32 s2, $0xB;
	v61 =	vmul.f32 $1.131370830e+01, v7;
	[tilespmem:s0+$0x70] =	vst v62  }
0x111: {  	s2 =	sand.u32 $0x1FFFF800, s2;
	[tilespmem:s0+$0x60] =	vst v63  }
0x112: {  	s31 =	sadd.s32 s3, s2;
	[tilespmem:s0+$0x30] =	vst v61  }
0x113: {  	[hbm4b:s31+s4] =	stream.linear.scatter [tilespmem:s18], [sflag:$0xA], $0x4000, $0x38;
	[tilespmem:$0x1A400] =	vst v63  }
0x114: {  	_ =	swait.ge [sflag:s23], $0x4000  }
0x115: {  	[sflag:s23] =	ssyncset.done $0x0  }
0x116: {  	[sflag:s23] =	ssyncadd.s32 $0xFFFFC000  }
0x117: {  	_ =	swait.ge [sflag:s24], $0x4000  }
0x118: {  	[sflag:s24] =	ssyncset.done $0x0  }
0x119: {  	[sflag:s24] =	ssyncadd.s32 $0xFFFFC000  }
0x11a: {  	_ =	swait.ge [sflag:s25], $0x4000  }
0x11b: {  	[sflag:s25] =	ssyncset.done $0x0  }
0x11c: {  	[sflag:s25] =	ssyncadd.s32 $0xFFFFC000  }
0x11d: {  	_ =	swait.ge [sflag:s26], $0x4000  }
0x11e: {  	[sflag:s26] =	ssyncset.done $0x0  }
0x11f: {  	[sflag:s26] =	ssyncadd.s32 $0xFFFFC000  }
0x120: {  	_ =	swait.ge [sflag:s28], $0x4000  }
0x121: {  	s29 =	sadd.s32 $0x1, s29;
	s0 =	rddreg [dreg:$0x5]  }
0x122: {  	p0 =	sne.s32 s29, s0  }
.Ltmp6:
0x123: {  	_ = 	snop;
	(pc) =	sbr.rel @p0 .LBB2_1-.Ltmp6, $3  }
0x124: {  	_ =	sdelay $0x1  }
0x125: {  	[sflag:s28] =	ssyncset.done $0x0  }
0x126: {  	[sflag:s28] =	ssyncadd.s32 $0xFFFFC000  }
0x127: {  	_ =	sfence.sel $0x180000  }
0x128: {  	[bflag:$0x0] =	sbarrier.arrive $0xFFFF  }
0x129: {  	_ =	strace $0x90000047  }
0x12a: {  	s0 =	stileid.u32;
	[bflag:$0x2] =	sbarrier.arrive $0xFFFF  }
0x12b: {  	p0 =	sne.s32 s0, $0x0;
	s0 =	rddreg [dreg:$0x3]  }
0x12c: {  	s0 =	sadd.s32 @!p0 $0x100000, s0  }
0x12d: {  	[sflag:s0] =	ssyncadd.tile.s32 @!p0 $0x1;
	_ =	shalt  }
.Lfunc_end2:
_tile_overlayer_lowered:
.L_overlay_start_2:
0x12e: {  	(tag) =	ssettag $0x2  }
0x12f: {  	s0 =	rddreg [dreg:$0x0];
	s2 =	stileid.u32  }
0x130: {  	s1 =	rddreg [dreg:$0x1];
	p0 =	sne.s32 s2, $0x0  }
0x131: {  	s3 =	rddreg [dreg:$0x2];
	[bflag:$0x3] =	sbarrier.arrive $0xFFFF;
	s2 =	simm.s32 @!p0 $0x1C0B  }
0x132: {  	[timem:s3], [sflag:s2] =	dma.local @!p0 [hbm:s0], s1  }
0x133: {  	s0 =	simm.s32 @!p0 $0xB  }
0x134: {  	_ =	swait.ge @!p0 [sflag:s0], s1  }
0x135: {  	s1 =	ssub.s32 @!p0 $0x0, s1;
	[sflag:s0] =	ssyncset.done @!p0 $0x0  }
0x136: {  	[sflag:s0] =	ssyncadd.s32 @!p0 s1  }
0x137: {  	[bflag:$0x3] =	sbarrier.arrive $0xFFFF  }
0x138: {  	_ =	shalt  }

</sc_bundles>
